<compile_context>
chip_gen: v7x
topology: tpu7x:2x2x1
jax: 0.10.2.dev20260603
libtpu: 0.0.44.dev20260713+nightly
codegen_flags: <defaults>
</compile_context>

<pallas_src>
import functools

import jax
import jax.numpy as jnp
from jax import lax
from jax.experimental import pallas as pl
from jax.experimental.pallas import tpu as pltpu
from jax.experimental.pallas import tpu_sc as plsc

E = 8
H = 1024
F = 4096
S = 2048

T = 256
NW = S // T + E - 1
S_PAD = NW * T
FBLK = 1024
NF = F // FBLK

SC_NC = 2
SC_NS = 16
SC_W = SC_NC * SC_NS



def _router_body(x_ref, w_ref, b_ref, assign_ref, w0_ref):
    x = x_ref[...]
    logits = lax.dot_general(x, w_ref[...], (((1,), (1,)), ((), ())),
                             preferred_element_type=jnp.float32)
    logits = logits + b_ref[...]
    m1 = jnp.max(logits, axis=-1, keepdims=True)
    a1 = jnp.argmax(logits, axis=-1, keepdims=True).astype(jnp.int32)
    col = lax.broadcasted_iota(jnp.int32, logits.shape, 1)
    masked = jnp.where(col == a1, -jnp.inf, logits)
    m2 = jnp.max(masked, axis=-1, keepdims=True)
    assign_ref[...] = a1
    w0_ref[...] = 1.0 / (1.0 + jnp.exp(m2 - m1))


def _router(x, router_w, router_b):
    rt = 512
    assign, w0 = pl.pallas_call(
        _router_body,
        grid=(S // rt,),
        in_specs=[
            pl.BlockSpec((rt, H), lambda i: (i, 0)),
            pl.BlockSpec((E, H), lambda i: (0, 0)),
            pl.BlockSpec((1, E), lambda i: (0, 0)),
        ],
        out_specs=[
            pl.BlockSpec((rt, 1), lambda i: (i, 0)),
            pl.BlockSpec((rt, 1), lambda i: (i, 0)),
        ],
        out_shape=[
            jax.ShapeDtypeStruct((S, 1), jnp.int32),
            jax.ShapeDtypeStruct((S, 1), jnp.float32),
        ],
    )(x, router_w, router_b.reshape(1, E))
    return assign[:, 0], w0[:, 0]



def _build_metadata(assign, w0):
    oh = (assign[:, None] == jnp.arange(E, dtype=jnp.int32)[None, :])
    csum = jnp.cumsum(oh.astype(jnp.int32), axis=0)
    counts = csum[-1]
    rank = jnp.take_along_axis(csum, assign[:, None], axis=1)[:, 0] - 1
    pitems = (counts + T - 1) // T
    cum_items = jnp.cumsum(pitems)
    bstart = jnp.concatenate(
        [jnp.zeros((1,), jnp.int32), cum_items]).astype(jnp.int32)
    pstart_rows = (cum_items - pitems) * T
    pos = pstart_rows[assign] + rank
    w0_pad = jnp.zeros(S_PAD, jnp.float32).at[pos].set(w0)
    return bstart, pos, w0_pad



@functools.lru_cache(maxsize=None)
def _make_sc_scatter(nrows_in, nrows_out, ch):
    b_per_w = nrows_in // SC_W
    nch = b_per_w // ch
    assert b_per_w % ch == 0 and nch == 2
    mesh = plsc.VectorSubcoreMesh(core_axis_name="c", subcore_axis_name="s")

    @functools.partial(
        pl.kernel,
        mesh=mesh,
        out_type=jax.ShapeDtypeStruct((nrows_out, H), jnp.float32),
        scratch_types=[
            pltpu.VMEM((ch,), jnp.int32),
            pltpu.VMEM((ch,), jnp.int32),
            pltpu.VMEM((ch, H), jnp.float32),
            pltpu.VMEM((ch, H), jnp.float32),
            pltpu.SemaphoreType.DMA,
            pltpu.SemaphoreType.DMA,
        ],
    )
    def k(src_hbm, pos_hbm, out_hbm, i0, i1, r0, r1, s0, s1):
        wid = lax.axis_index("s") * SC_NC + lax.axis_index("c")
        base = wid * b_per_w
        ivs, rvs, sems = (i0, i1), (r0, r1), (s0, s1)
        for c in range(nch):
            pltpu.sync_copy(pos_hbm.at[pl.ds(base + c * ch, ch)], ivs[c])
            pltpu.sync_copy(src_hbm.at[pl.ds(base + c * ch, ch)], rvs[c])
            pltpu.async_copy(rvs[c], out_hbm.at[ivs[c]], sems[c])
        for c in range(nch):
            pltpu.make_async_copy(rvs[c], out_hbm.at[ivs[c]], sems[c]).wait()

    return k


@functools.lru_cache(maxsize=None)
def _make_sc_gather(nrows, ch):
    b_per_w = nrows // SC_W
    nch = b_per_w // ch
    assert b_per_w % ch == 0
    mesh = plsc.VectorSubcoreMesh(core_axis_name="c", subcore_axis_name="s")

    @functools.partial(
        pl.kernel,
        mesh=mesh,
        out_type=jax.ShapeDtypeStruct((nrows, H), jnp.float32),
        scratch_types=[
            pltpu.VMEM((b_per_w,), jnp.int32),
            pltpu.VMEM((ch, H), jnp.float32),
            pltpu.VMEM((ch, H), jnp.float32),
            pltpu.SemaphoreType.DMA,
            pltpu.SemaphoreType.DMA,
        ],
    )
    def k(table_hbm, idx_hbm, out_hbm, idx_v, r0, r1, s0, s1):
        wid = lax.axis_index("s") * SC_NC + lax.axis_index("c")
        base = wid * b_per_w
        bufs, sems = (r0, r1), (s0, s1)
        pltpu.sync_copy(idx_hbm.at[pl.ds(base, b_per_w)], idx_v)
        pltpu.async_copy(table_hbm.at[idx_v.at[pl.ds(0, ch)]], r0, s0)
        for c in range(nch):
            if c + 1 < nch:
                pltpu.async_copy(
                    table_hbm.at[idx_v.at[pl.ds((c + 1) * ch, ch)]],
                    bufs[(c + 1) % 2], sems[(c + 1) % 2])
            pltpu.make_async_copy(
                table_hbm.at[idx_v.at[pl.ds(c * ch, ch)]],
                bufs[c % 2], sems[c % 2]).wait()
            pltpu.sync_copy(bufs[c % 2], out_hbm.at[pl.ds(base + c * ch, ch)])

    return k



def _ffn_body(bs_ref, x_ref, fc1w_ref, fc1b_ref, fc2w_ref, fc2b_ref, w0_ref,
              out_ref):
    f = pl.program_id(0)
    e = pl.program_id(1)
    b_lo = bs_ref[e]
    b_hi = bs_ref[e + 1]

    def item(b, carry):
        rows = pl.ds(b * T, T)
        xb = x_ref[rows, :]
        h = lax.dot_general(xb, fc1w_ref[0], (((1,), (1,)), ((), ())),
                            preferred_element_type=jnp.float32)
        h = h + fc1b_ref[0]
        g = 0.5 * h * (1.0 + lax.erf(h * 0.7071067811865476))
        y = lax.dot_general(g, fc2w_ref[0], (((1,), (1,)), ((), ())),
                            preferred_element_type=jnp.float32)

        @pl.when(f == 0)
        def _():
            out_ref[rows, :] = y

        @pl.when(jnp.logical_and(f > 0, f < NF - 1))
        def _():
            out_ref[rows, :] += y

        @pl.when(f == NF - 1)
        def _():
            out_ref[rows, :] = (out_ref[rows, :] + y + fc2b_ref[0]) * w0_ref[rows, :]

        return carry

    lax.fori_loop(b_lo, b_hi, item, 0)


def _ffn(bstart, x_pad, fc1_w, fc1_b, fc2_w, fc2_b, w0_pad):
    grid_spec = pltpu.PrefetchScalarGridSpec(
        num_scalar_prefetch=1,
        grid=(NF, E),
        in_specs=[
            pl.BlockSpec((S_PAD, H), lambda f, e, bs: (0, 0)),
            pl.BlockSpec((1, FBLK, H), lambda f, e, bs: (e, f, 0)),
            pl.BlockSpec((1, 1, FBLK), lambda f, e, bs: (e, 0, f)),
            pl.BlockSpec((1, H, FBLK), lambda f, e, bs: (e, 0, f)),
            pl.BlockSpec((1, 1, H), lambda f, e, bs: (e, 0, 0)),
            pl.BlockSpec((S_PAD, 1), lambda f, e, bs: (0, 0)),
        ],
        out_specs=pl.BlockSpec((S_PAD, H), lambda f, e, bs: (0, 0)),
    )
    return pl.pallas_call(
        _ffn_body,
        grid_spec=grid_spec,
        out_shape=jax.ShapeDtypeStruct((S_PAD, H), jnp.float32),
        compiler_params=pltpu.CompilerParams(
            dimension_semantics=("arbitrary", "arbitrary"),
            vmem_limit_bytes=120 * 1024 * 1024),
    )(bstart, x_pad, fc1_w, fc1_b.reshape(E, 1, F), fc2_w,
      fc2_b.reshape(E, 1, H), w0_pad.reshape(S_PAD, 1))



def kernel(hidden_states, router_w, router_b, fc1_w, fc1_b, fc2_w, fc2_b):
    b, s, h = hidden_states.shape
    x = hidden_states.reshape(s, h)
    assign, w0 = _router(x, router_w, router_b)
    bstart, pos, w0_pad = _build_metadata(assign, w0)
    x_pad = _make_sc_scatter(S, S_PAD, 32)(x, pos)
    y_pad = _ffn(bstart, x_pad, fc1_w, fc1_b, fc2_w, fc2_b, w0_pad)
    out = _make_sc_gather(S, 32)(y_pad, pos)
    return out.reshape(b, s, h)

# --- scband reference (transcript-rebuilt; emitter-appended) ---
"""Pipeline reference for scband-mo-elayer-90237262889053 (READ-ONLY COPY).

The authoritative reference and input builder live on the scoring server;
editing this copy changes nothing except your own understanding.
"""

import jax, jax.numpy as jnp
import numpy as np

E = 8
H = 1024
F = 4096
B = 1
S = 2048


def setup_inputs(seed: int = 0) -> dict:
    key = jax.random.key(seed)
    ks = jax.random.split(key, 8)
    inp = {
        "hidden_states": jax.random.normal(ks[0], (B, S, H), dtype=jnp.float32),
        "router_w": jax.random.normal(ks[1], (E, H), dtype=jnp.float32) * 0.02,
        "router_b": jnp.zeros((E,), dtype=jnp.float32),
        "fc1_w": jax.random.normal(ks[2], (E, F, H), dtype=jnp.float32) * 0.02,
        "fc1_b": jnp.zeros((E, F), dtype=jnp.float32),
        "fc2_w": jax.random.normal(ks[3], (E, H, F), dtype=jnp.float32) * 0.02,
        "fc2_b": jnp.zeros((E, H), dtype=jnp.float32),
    }
    return inp


def reference(hidden_states, router_w, router_b, fc1_w, fc1_b, fc2_w, fc2_b):
    b, s, h = hidden_states.shape
    x = hidden_states.reshape(-1, h)
    # router
    router_logits = x @ router_w.T + router_b
    router_probs = jax.nn.softmax(router_logits, axis=-1)
    top_k_probs, top_k_indices = jax.lax.top_k(router_probs, 2)
    top_k_probs = top_k_probs / jnp.sum(top_k_probs, axis=-1, keepdims=True)
    # the original module only dispatches to the top-1 expert, weighted by
    # the renormalized top-1 probability
    assign = top_k_indices[:, 0]
    w0 = top_k_probs[:, 0:1]
    final_output = jnp.zeros_like(x)
    for e in range(E):
        mask = (assign == e)
        hmid = jax.nn.gelu(x @ fc1_w[e].T + fc1_b[e], approximate=False)
        y = hmid @ fc2_w[e].T + fc2_b[e]
        # dropout prob is 0.0 -> identity
        final_output = final_output + jnp.where(mask[:, None], y * w0, 0.0)
    return final_output.reshape(b, s, h)

if __name__ == "__main__":
    import jax
    _d = setup_inputs()
    print(jax.jit(kernel)(*tuple(_d.values())))

</pallas_src>

<mosaic_0001>
#map = affine_map<(d0, d1) -> (0, 0)>
#map1 = affine_map<(d0, d1) -> (0)>
module attributes {stable_mosaic.version = 14 : i64} {
  func.func @k(%arg0: i32, %arg1: i32, %arg2: memref<2048x1024xf32, #tpu.memory_space<hbm>>, %arg3: memref<2048xi32, #tpu.memory_space<hbm>>, %arg4: memref<3840x1024xf32, #tpu.memory_space<hbm>>, %arg5: memref<32xi32, #tpu.memory_space<vmem>>, %arg6: memref<32xi32, #tpu.memory_space<vmem>>, %arg7: memref<32x1024xf32, #tpu.memory_space<vmem>>, %arg8: memref<32x1024xf32, #tpu.memory_space<vmem>>, %arg9: memref<!tpu.dma_semaphore, #tpu.memory_space<semaphore_mem>>, %arg10: memref<!tpu.dma_semaphore, #tpu.memory_space<semaphore_mem>>) attributes {dimension_semantics = [#tpu.dimension_semantics<core_parallel>, #tpu.dimension_semantics<subcore_parallel>], iteration_bounds = array<i64: 2, 16>, scalar_prefetch = 0 : i64, scratch_operands = 6 : i64, tpu.core_type = #tpu.core_type<sc_vector_subcore>, window_params = [{transform_indices = #map}, {transform_indices = #map1}, {transform_indices = #map}]} {
    %mul3A = arith.constant 2 : i32
    %mul3A_0 = arith.muli %arg1, %mul3A : i32
    %add3A = arith.addi %mul3A_0, %arg0 : i32
    %mul3A_1 = arith.constant 64 : i32
    %mul3A_2 = arith.muli %add3A, %mul3A_1 : i32
    %add3A_3 = arith.constant 0 : i32
    %add3A_4 = arith.addi %mul3A_2, %add3A_3 : i32
    "tpu.region"() ({
      %run_scoped3A = tpu.sem_alloc : memref<!tpu.dma_semaphore, #tpu.memory_space<semaphore_mem>>
      %dma_start3A_21 = tpu.memref_slice %arg3[%add3A_4] : memref<2048xi32, #tpu.memory_space<hbm>> -> memref<32xi32, #tpu.memory_space<hbm>>
      %dma_start3A_22 = tpu.memref_slice %arg3[%add3A_4] : memref<2048xi32, #tpu.memory_space<hbm>> -> memref<32xi32, #tpu.memory_space<hbm>>
      tpu.enqueue_dma source(%dma_start3A_22 : memref<32xi32, #tpu.memory_space<hbm>>) target(%arg5 : memref<32xi32, #tpu.memory_space<vmem>>) target_semaphore(%run_scoped3A : memref<!tpu.dma_semaphore, #tpu.memory_space<semaphore_mem>>)
      %dma_wait3A_23 = tpu.memref_slice %arg3[%add3A_4] : memref<2048xi32, #tpu.memory_space<hbm>> -> memref<32xi32, #tpu.memory_space<hbm>>
      %dma_wait3A_24 = tpu.memref_slice %arg3[%add3A_4] : memref<2048xi32, #tpu.memory_space<hbm>> -> memref<32xi32, #tpu.memory_space<hbm>>
      tpu.wait_dma2 semaphore(%run_scoped3A : memref<!tpu.dma_semaphore, #tpu.memory_space<semaphore_mem>>) src(%dma_wait3A_24 : memref<32xi32, #tpu.memory_space<hbm>>) dst(%arg5 : memref<32xi32, #tpu.memory_space<vmem>>)
      tpu.yield
    }) : () -> ()
    %add3A_5 = arith.constant 0 : i32
    %add3A_6 = arith.addi %mul3A_2, %add3A_5 : i32
    "tpu.region"() ({
      %run_scoped3A = tpu.sem_alloc : memref<!tpu.dma_semaphore, #tpu.memory_space<semaphore_mem>>
      %dma_start3A_21 = arith.constant 0 : i32
      %dma_start3A_22 = tpu.memref_slice %arg2[%add3A_6, %dma_start3A_21] : memref<2048x1024xf32, #tpu.memory_space<hbm>> -> memref<32x1024xf32, #tpu.memory_space<hbm>>
      %dma_start3A_23 = arith.constant 0 : i32
      %dma_start3A_24 = tpu.memref_slice %arg2[%add3A_6, %dma_start3A_23] : memref<2048x1024xf32, #tpu.memory_space<hbm>> -> memref<32x1024xf32, #tpu.memory_space<hbm>>
      tpu.enqueue_dma source(%dma_start3A_24 : memref<32x1024xf32, #tpu.memory_space<hbm>>) target(%arg7 : memref<32x1024xf32, #tpu.memory_space<vmem>>) target_semaphore(%run_scoped3A : memref<!tpu.dma_semaphore, #tpu.memory_space<semaphore_mem>>)
      %dma_wait3A_25 = arith.constant 0 : i32
      %dma_wait3A_26 = tpu.memref_slice %arg2[%add3A_6, %dma_wait3A_25] : memref<2048x1024xf32, #tpu.memory_space<hbm>> -> memref<32x1024xf32, #tpu.memory_space<hbm>>
      %dma_wait3A_27 = arith.constant 0 : i32
      %dma_wait3A_28 = tpu.memref_slice %arg2[%add3A_6, %dma_wait3A_27] : memref<2048x1024xf32, #tpu.memory_space<hbm>> -> memref<32x1024xf32, #tpu.memory_space<hbm>>
      tpu.wait_dma2 semaphore(%run_scoped3A : memref<!tpu.dma_semaphore, #tpu.memory_space<semaphore_mem>>) src(%dma_wait3A_28 : memref<32x1024xf32, #tpu.memory_space<hbm>>) dst(%arg7 : memref<32x1024xf32, #tpu.memory_space<vmem>>)
      tpu.yield
    }) : () -> ()
    %dma_start3A = arith.constant 0 : i32
    %dma_start3A_7 = arith.constant 0 : i32
    %dma_start3A_8 = tpu.memref_slice %arg4[%dma_start3A, %dma_start3A_7] : memref<3840x1024xf32, #tpu.memory_space<hbm>> -> memref<3840x1024xf32, #tpu.memory_space<hbm>>
    tpu.enqueue_indirect_dma source(%arg7 : memref<32x1024xf32, #tpu.memory_space<vmem>>) target(%dma_start3A_8 : memref<3840x1024xf32, #tpu.memory_space<hbm>>) offsets(%arg5 : memref<32xi32, #tpu.memory_space<vmem>>) semaphore(%arg9 : memref<!tpu.dma_semaphore, #tpu.memory_space<semaphore_mem>>)
    %add3A_9 = arith.constant 32 : i32
    %add3A_10 = arith.addi %mul3A_2, %add3A_9 : i32
    "tpu.region"() ({
      %run_scoped3A = tpu.sem_alloc : memref<!tpu.dma_semaphore, #tpu.memory_space<semaphore_mem>>
      %dma_start3A_21 = tpu.memref_slice %arg3[%add3A_10] : memref<2048xi32, #tpu.memory_space<hbm>> -> memref<32xi32, #tpu.memory_space<hbm>>
      %dma_start3A_22 = tpu.memref_slice %arg3[%add3A_10] : memref<2048xi32, #tpu.memory_space<hbm>> -> memref<32xi32, #tpu.memory_space<hbm>>
      tpu.enqueue_dma source(%dma_start3A_22 : memref<32xi32, #tpu.memory_space<hbm>>) target(%arg6 : memref<32xi32, #tpu.memory_space<vmem>>) target_semaphore(%run_scoped3A : memref<!tpu.dma_semaphore, #tpu.memory_space<semaphore_mem>>)
      %dma_wait3A_23 = tpu.memref_slice %arg3[%add3A_10] : memref<2048xi32, #tpu.memory_space<hbm>> -> memref<32xi32, #tpu.memory_space<hbm>>
      %dma_wait3A_24 = tpu.memref_slice %arg3[%add3A_10] : memref<2048xi32, #tpu.memory_space<hbm>> -> memref<32xi32, #tpu.memory_space<hbm>>
      tpu.wait_dma2 semaphore(%run_scoped3A : memref<!tpu.dma_semaphore, #tpu.memory_space<semaphore_mem>>) src(%dma_wait3A_24 : memref<32xi32, #tpu.memory_space<hbm>>) dst(%arg6 : memref<32xi32, #tpu.memory_space<vmem>>)
      tpu.yield
    }) : () -> ()
    %add3A_11 = arith.constant 32 : i32
    %add3A_12 = arith.addi %mul3A_2, %add3A_11 : i32
    "tpu.region"() ({
      %run_scoped3A = tpu.sem_alloc : memref<!tpu.dma_semaphore, #tpu.memory_space<semaphore_mem>>
      %dma_start3A_21 = arith.constant 0 : i32
      %dma_start3A_22 = tpu.memref_slice %arg2[%add3A_12, %dma_start3A_21] : memref<2048x1024xf32, #tpu.memory_space<hbm>> -> memref<32x1024xf32, #tpu.memory_space<hbm>>
      %dma_start3A_23 = arith.constant 0 : i32
      %dma_start3A_24 = tpu.memref_slice %arg2[%add3A_12, %dma_start3A_23] : memref<2048x1024xf32, #tpu.memory_space<hbm>> -> memref<32x1024xf32, #tpu.memory_space<hbm>>
      tpu.enqueue_dma source(%dma_start3A_24 : memref<32x1024xf32, #tpu.memory_space<hbm>>) target(%arg8 : memref<32x1024xf32, #tpu.memory_space<vmem>>) target_semaphore(%run_scoped3A : memref<!tpu.dma_semaphore, #tpu.memory_space<semaphore_mem>>)
      %dma_wait3A_25 = arith.constant 0 : i32
      %dma_wait3A_26 = tpu.memref_slice %arg2[%add3A_12, %dma_wait3A_25] : memref<2048x1024xf32, #tpu.memory_space<hbm>> -> memref<32x1024xf32, #tpu.memory_space<hbm>>
      %dma_wait3A_27 = arith.constant 0 : i32
      %dma_wait3A_28 = tpu.memref_slice %arg2[%add3A_12, %dma_wait3A_27] : memref<2048x1024xf32, #tpu.memory_space<hbm>> -> memref<32x1024xf32, #tpu.memory_space<hbm>>
      tpu.wait_dma2 semaphore(%run_scoped3A : memref<!tpu.dma_semaphore, #tpu.memory_space<semaphore_mem>>) src(%dma_wait3A_28 : memref<32x1024xf32, #tpu.memory_space<hbm>>) dst(%arg8 : memref<32x1024xf32, #tpu.memory_space<vmem>>)
      tpu.yield
    }) : () -> ()
    %dma_start3A_13 = arith.constant 0 : i32
    %dma_start3A_14 = arith.constant 0 : i32
    %dma_start3A_15 = tpu.memref_slice %arg4[%dma_start3A_13, %dma_start3A_14] : memref<3840x1024xf32, #tpu.memory_space<hbm>> -> memref<3840x1024xf32, #tpu.memory_space<hbm>>
    tpu.enqueue_indirect_dma source(%arg8 : memref<32x1024xf32, #tpu.memory_space<vmem>>) target(%dma_start3A_15 : memref<3840x1024xf32, #tpu.memory_space<hbm>>) offsets(%arg6 : memref<32xi32, #tpu.memory_space<vmem>>) semaphore(%arg10 : memref<!tpu.dma_semaphore, #tpu.memory_space<semaphore_mem>>)
    %dma_wait3A = arith.constant 0 : i32
    %dma_wait3A_16 = arith.constant 0 : i32
    %dma_wait3A_17 = tpu.memref_slice %arg4[%dma_wait3A, %dma_wait3A_16] : memref<3840x1024xf32, #tpu.memory_space<hbm>> -> memref<3840x1024xf32, #tpu.memory_space<hbm>>
    tpu.wait_indirect_dma semaphore(%arg9 : memref<!tpu.dma_semaphore, #tpu.memory_space<semaphore_mem>>) src(%arg7 : memref<32x1024xf32, #tpu.memory_space<vmem>>) dst(%dma_wait3A_17 : memref<3840x1024xf32, #tpu.memory_space<hbm>>)
    %dma_wait3A_18 = arith.constant 0 : i32
    %dma_wait3A_19 = arith.constant 0 : i32
    %dma_wait3A_20 = tpu.memref_slice %arg4[%dma_wait3A_18, %dma_wait3A_19] : memref<3840x1024xf32, #tpu.memory_space<hbm>> -> memref<3840x1024xf32, #tpu.memory_space<hbm>>
    tpu.wait_indirect_dma semaphore(%arg10 : memref<!tpu.dma_semaphore, #tpu.memory_space<semaphore_mem>>) src(%arg8 : memref<32x1024xf32, #tpu.memory_space<vmem>>) dst(%dma_wait3A_20 : memref<3840x1024xf32, #tpu.memory_space<hbm>>)
    return
  }
}

#map = affine_map<(d0, d1) -> (0, 0)>
#map1 = affine_map<(d0, d1) -> (0)>
module attributes {stable_mosaic.version = 14 : i64} {
  func.func @k(%arg0: i32, %arg1: i32, %arg2: memref<3840x1024xf32, #tpu.memory_space<hbm>>, %arg3: memref<2048xi32, #tpu.memory_space<hbm>>, %arg4: memref<2048x1024xf32, #tpu.memory_space<hbm>>, %arg5: memref<64xi32, #tpu.memory_space<vmem>>, %arg6: memref<32x1024xf32, #tpu.memory_space<vmem>>, %arg7: memref<32x1024xf32, #tpu.memory_space<vmem>>, %arg8: memref<!tpu.dma_semaphore, #tpu.memory_space<semaphore_mem>>, %arg9: memref<!tpu.dma_semaphore, #tpu.memory_space<semaphore_mem>>) attributes {dimension_semantics = [#tpu.dimension_semantics<core_parallel>, #tpu.dimension_semantics<subcore_parallel>], iteration_bounds = array<i64: 2, 16>, scalar_prefetch = 0 : i64, scratch_operands = 5 : i64, tpu.core_type = #tpu.core_type<sc_vector_subcore>, window_params = [{transform_indices = #map}, {transform_indices = #map1}, {transform_indices = #map}]} {
    %mul3A = arith.constant 2 : i32
    %mul3A_0 = arith.muli %arg1, %mul3A : i32
    %add3A = arith.addi %mul3A_0, %arg0 : i32
    %mul3A_1 = arith.constant 64 : i32
    %mul3A_2 = arith.muli %add3A, %mul3A_1 : i32
    "tpu.region"() ({
      %run_scoped3A = tpu.sem_alloc : memref<!tpu.dma_semaphore, #tpu.memory_space<semaphore_mem>>
      %dma_start3A_25 = tpu.memref_slice %arg3[%mul3A_2] : memref<2048xi32, #tpu.memory_space<hbm>> -> memref<64xi32, #tpu.memory_space<hbm>>
      %dma_start3A_26 = tpu.memref_slice %arg3[%mul3A_2] : memref<2048xi32, #tpu.memory_space<hbm>> -> memref<64xi32, #tpu.memory_space<hbm>>
      tpu.enqueue_dma source(%dma_start3A_26 : memref<64xi32, #tpu.memory_space<hbm>>) target(%arg5 : memref<64xi32, #tpu.memory_space<vmem>>) target_semaphore(%run_scoped3A : memref<!tpu.dma_semaphore, #tpu.memory_space<semaphore_mem>>)
      %dma_wait3A_27 = tpu.memref_slice %arg3[%mul3A_2] : memref<2048xi32, #tpu.memory_space<hbm>> -> memref<64xi32, #tpu.memory_space<hbm>>
      %dma_wait3A_28 = tpu.memref_slice %arg3[%mul3A_2] : memref<2048xi32, #tpu.memory_space<hbm>> -> memref<64xi32, #tpu.memory_space<hbm>>
      tpu.wait_dma2 semaphore(%run_scoped3A : memref<!tpu.dma_semaphore, #tpu.memory_space<semaphore_mem>>) src(%dma_wait3A_28 : memref<64xi32, #tpu.memory_space<hbm>>) dst(%arg5 : memref<64xi32, #tpu.memory_space<vmem>>)
      tpu.yield
    }) : () -> ()
    %dma_start3A = arith.constant 0 : i32
    %dma_start3A_3 = tpu.memref_slice %arg5[%dma_start3A] : memref<64xi32, #tpu.memory_space<vmem>> -> memref<32xi32, #tpu.memory_space<vmem>>
    %dma_start3A_4 = arith.constant 0 : i32
    %dma_start3A_5 = arith.constant 0 : i32
    %dma_start3A_6 = tpu.memref_slice %arg2[%dma_start3A_4, %dma_start3A_5] : memref<3840x1024xf32, #tpu.memory_space<hbm>> -> memref<3840x1024xf32, #tpu.memory_space<hbm>>
    tpu.enqueue_indirect_dma source(%dma_start3A_6 : memref<3840x1024xf32, #tpu.memory_space<hbm>>) target(%arg6 : memref<32x1024xf32, #tpu.memory_space<vmem>>) offsets(%dma_start3A_3 : memref<32xi32, #tpu.memory_space<vmem>>) semaphore(%arg8 : memref<!tpu.dma_semaphore, #tpu.memory_space<semaphore_mem>>)
    %dma_start3A_7 = arith.constant 32 : i32
    %dma_start3A_8 = tpu.memref_slice %arg5[%dma_start3A_7] : memref<64xi32, #tpu.memory_space<vmem>> -> memref<32xi32, #tpu.memory_space<vmem>>
    %dma_start3A_9 = arith.constant 0 : i32
    %dma_start3A_10 = arith.constant 0 : i32
    %dma_start3A_11 = tpu.memref_slice %arg2[%dma_start3A_9, %dma_start3A_10] : memref<3840x1024xf32, #tpu.memory_space<hbm>> -> memref<3840x1024xf32, #tpu.memory_space<hbm>>
    tpu.enqueue_indirect_dma source(%dma_start3A_11 : memref<3840x1024xf32, #tpu.memory_space<hbm>>) target(%arg7 : memref<32x1024xf32, #tpu.memory_space<vmem>>) offsets(%dma_start3A_8 : memref<32xi32, #tpu.memory_space<vmem>>) semaphore(%arg9 : memref<!tpu.dma_semaphore, #tpu.memory_space<semaphore_mem>>)
    %dma_wait3A = arith.constant 0 : i32
    %dma_wait3A_12 = tpu.memref_slice %arg5[%dma_wait3A] : memref<64xi32, #tpu.memory_space<vmem>> -> memref<32xi32, #tpu.memory_space<vmem>>
    %dma_wait3A_13 = arith.constant 0 : i32
    %dma_wait3A_14 = arith.constant 0 : i32
    %dma_wait3A_15 = tpu.memref_slice %arg2[%dma_wait3A_13, %dma_wait3A_14] : memref<3840x1024xf32, #tpu.memory_space<hbm>> -> memref<3840x1024xf32, #tpu.memory_space<hbm>>
    tpu.wait_indirect_dma semaphore(%arg8 : memref<!tpu.dma_semaphore, #tpu.memory_space<semaphore_mem>>) src(%dma_wait3A_15 : memref<3840x1024xf32, #tpu.memory_space<hbm>>) dst(%arg6 : memref<32x1024xf32, #tpu.memory_space<vmem>>)
    %add3A_16 = arith.constant 0 : i32
    %add3A_17 = arith.addi %mul3A_2, %add3A_16 : i32
    "tpu.region"() ({
      %run_scoped3A = tpu.sem_alloc : memref<!tpu.dma_semaphore, #tpu.memory_space<semaphore_mem>>
      %dma_start3A_25 = arith.constant 0 : i32
      %dma_start3A_26 = tpu.memref_slice %arg4[%add3A_17, %dma_start3A_25] : memref<2048x1024xf32, #tpu.memory_space<hbm>> -> memref<32x1024xf32, #tpu.memory_space<hbm>>
      %dma_start3A_27 = arith.constant 0 : i32
      %dma_start3A_28 = tpu.memref_slice %arg4[%add3A_17, %dma_start3A_27] : memref<2048x1024xf32, #tpu.memory_space<hbm>> -> memref<32x1024xf32, #tpu.memory_space<hbm>>
      tpu.enqueue_dma source(%arg6 : memref<32x1024xf32, #tpu.memory_space<vmem>>) target(%dma_start3A_28 : memref<32x1024xf32, #tpu.memory_space<hbm>>) target_semaphore(%run_scoped3A : memref<!tpu.dma_semaphore, #tpu.memory_space<semaphore_mem>>)
      %dma_wait3A_29 = arith.constant 0 : i32
      %dma_wait3A_30 = tpu.memref_slice %arg4[%add3A_17, %dma_wait3A_29] : memref<2048x1024xf32, #tpu.memory_space<hbm>> -> memref<32x1024xf32, #tpu.memory_space<hbm>>
      %dma_wait3A_31 = arith.constant 0 : i32
      %dma_wait3A_32 = tpu.memref_slice %arg4[%add3A_17, %dma_wait3A_31] : memref<2048x1024xf32, #tpu.memory_space<hbm>> -> memref<32x1024xf32, #tpu.memory_space<hbm>>
      tpu.wait_dma2 semaphore(%run_scoped3A : memref<!tpu.dma_semaphore, #tpu.memory_space<semaphore_mem>>) src(%arg6 : memref<32x1024xf32, #tpu.memory_space<vmem>>) dst(%dma_wait3A_32 : memref<32x1024xf32, #tpu.memory_space<hbm>>)
      tpu.yield
    }) : () -> ()
    %dma_wait3A_18 = arith.constant 32 : i32
    %dma_wait3A_19 = tpu.memref_slice %arg5[%dma_wait3A_18] : memref<64xi32, #tpu.memory_space<vmem>> -> memref<32xi32, #tpu.memory_space<vmem>>
    %dma_wait3A_20 = arith.constant 0 : i32
    %dma_wait3A_21 = arith.constant 0 : i32
    %dma_wait3A_22 = tpu.memref_slice %arg2[%dma_wait3A_20, %dma_wait3A_21] : memref<3840x1024xf32, #tpu.memory_space<hbm>> -> memref<3840x1024xf32, #tpu.memory_space<hbm>>
    tpu.wait_indirect_dma semaphore(%arg9 : memref<!tpu.dma_semaphore, #tpu.memory_space<semaphore_mem>>) src(%dma_wait3A_22 : memref<3840x1024xf32, #tpu.memory_space<hbm>>) dst(%arg7 : memref<32x1024xf32, #tpu.memory_space<vmem>>)
    %add3A_23 = arith.constant 32 : i32
    %add3A_24 = arith.addi %mul3A_2, %add3A_23 : i32
    "tpu.region"() ({
      %run_scoped3A = tpu.sem_alloc : memref<!tpu.dma_semaphore, #tpu.memory_space<semaphore_mem>>
      %dma_start3A_25 = arith.constant 0 : i32
      %dma_start3A_26 = tpu.memref_slice %arg4[%add3A_24, %dma_start3A_25] : memref<2048x1024xf32, #tpu.memory_space<hbm>> -> memref<32x1024xf32, #tpu.memory_space<hbm>>
      %dma_start3A_27 = arith.constant 0 : i32
      %dma_start3A_28 = tpu.memref_slice %arg4[%add3A_24, %dma_start3A_27] : memref<2048x1024xf32, #tpu.memory_space<hbm>> -> memref<32x1024xf32, #tpu.memory_space<hbm>>
      tpu.enqueue_dma source(%arg7 : memref<32x1024xf32, #tpu.memory_space<vmem>>) target(%dma_start3A_28 : memref<32x1024xf32, #tpu.memory_space<hbm>>) target_semaphore(%run_scoped3A : memref<!tpu.dma_semaphore, #tpu.memory_space<semaphore_mem>>)
      %dma_wait3A_29 = arith.constant 0 : i32
      %dma_wait3A_30 = tpu.memref_slice %arg4[%add3A_24, %dma_wait3A_29] : memref<2048x1024xf32, #tpu.memory_space<hbm>> -> memref<32x1024xf32, #tpu.memory_space<hbm>>
      %dma_wait3A_31 = arith.constant 0 : i32
      %dma_wait3A_32 = tpu.memref_slice %arg4[%add3A_24, %dma_wait3A_31] : memref<2048x1024xf32, #tpu.memory_space<hbm>> -> memref<32x1024xf32, #tpu.memory_space<hbm>>
      tpu.wait_dma2 semaphore(%run_scoped3A : memref<!tpu.dma_semaphore, #tpu.memory_space<semaphore_mem>>) src(%arg7 : memref<32x1024xf32, #tpu.memory_space<vmem>>) dst(%dma_wait3A_32 : memref<32x1024xf32, #tpu.memory_space<hbm>>)
      tpu.yield
    }) : () -> ()
    return
  }
}

module attributes {stable_mosaic.version = 14 : i64} {
  func.func @_router_body(%arg0: i32, %arg1: memref<512x1024xf32, #tpu.memory_space<vmem>>, %arg2: memref<8x1024xf32, #tpu.memory_space<vmem>>, %arg3: memref<1x8xf32, #tpu.memory_space<vmem>>, %arg4: memref<512x1xi32, #tpu.memory_space<vmem>>, %arg5: memref<512x1xf32, #tpu.memory_space<vmem>>) attributes {dimension_semantics = [#tpu.dimension_semantics<arbitrary>], iteration_bounds = array<i64: 4>, scalar_prefetch = 0 : i64, scratch_operands = 0 : i64, tpu.core_type = #tpu.core_type<tc>, window_params = [{transform_indices = @transform_0, window_bounds = array<i64: 512, 1024>}, {pipeline_mode = #tpu.pipeline_mode<synchronous>, transform_indices = @transform_1, window_bounds = array<i64: 8, 1024>}, {pipeline_mode = #tpu.pipeline_mode<synchronous>, transform_indices = @transform_2, window_bounds = array<i64: 1, 8>}, {transform_indices = @transform_3, window_bounds = array<i64: 512, 1>}, {transform_indices = @transform_4, window_bounds = array<i64: 512, 1>}]} {
    %get3A = arith.constant 0 : index
    %get3A_0 = arith.constant 0 : index
    %get3A_1 = vector.load %arg1[%get3A, %get3A_0] : memref<512x1024xf32, #tpu.memory_space<vmem>>, vector<512x1024xf32>
    %get3A_2 = arith.constant 0 : index
    %get3A_3 = arith.constant 0 : index
    %get3A_4 = vector.load %arg2[%get3A_2, %get3A_3] : memref<8x1024xf32, #tpu.memory_space<vmem>>, vector<8x1024xf32>
    %dot_general3A = arith.constant dense<0.000000e+00> : vector<512x8xf32>
    %dot_general3A_5 = tpu.matmul %get3A_1, %get3A_4, %dot_general3A {dimension_numbers = #tpu.dot_dimension_numbers<[1], [1], [0], [0], [0, 0, 1, 0], [], []>, transpose_lhs_hint = false} : vector<512x1024xf32>, vector<8x1024xf32>, vector<512x8xf32> -> vector<512x8xf32>
    %get3A_6 = arith.constant 0 : index
    %get3A_7 = arith.constant 0 : index
    %get3A_8 = vector.load %arg3[%get3A_6, %get3A_7] : memref<1x8xf32, #tpu.memory_space<vmem>>, vector<1x8xf32>
    %add3A = vector.broadcast %get3A_8 : vector<1x8xf32> to vector<512x8xf32>
    %add3A_9 = arith.addf %dot_general3A_5, %add3A : vector<512x8xf32>
    %reduce_max3A = arith.constant dense<0xFF800000> : vector<512xf32>
    %reduce_max3A_10 = vector.multi_reduction <maximumf>, %add3A_9, %reduce_max3A [1] : vector<512x8xf32> to vector<512xf32>
    %broadcast_in_dim3A = vector.shape_cast %reduce_max3A_10 : vector<512xf32> to vector<512x1xf32>
    %argmax3A = tpu.reduce_index %add3A_9 {axis = 1 : i32, kind = #tpu.reduction_kind<arg_max>} : vector<512x8xf32> -> vector<512xi32>
    %broadcast_in_dim3A_11 = vector.shape_cast %argmax3A : vector<512xi32> to vector<512x1xi32>
    %iota3A = tpu.iota {dimensions = array<i32: 1>} : vector<512x8xi32>
    %eq3A = vector.broadcast %broadcast_in_dim3A_11 : vector<512x1xi32> to vector<512x8xi32>
    %eq3A_12 = arith.cmpi eq, %iota3A, %eq3A : vector<512x8xi32>
    %jit3A = arith.constant 0xFF800000 : f32
    %broadcast_in_dim3A_13 = vector.broadcast %jit3A : f32 to vector<512x8xf32>
    %select_n3A = arith.select %eq3A_12, %broadcast_in_dim3A_13, %add3A_9 : vector<512x8xi1>, vector<512x8xf32>
    %reduce_max3A_14 = arith.constant dense<0xFF800000> : vector<512xf32>
    %reduce_max3A_15 = vector.multi_reduction <maximumf>, %select_n3A, %reduce_max3A_14 [1] : vector<512x8xf32> to vector<512xf32>
    %broadcast_in_dim3A_16 = vector.shape_cast %reduce_max3A_15 : vector<512xf32> to vector<512x1xf32>
    %swap3A = arith.constant 0 : index
    %swap3A_17 = arith.constant 0 : index
    %swap3A_18 = vector.load %arg4[%swap3A, %swap3A_17] : memref<512x1xi32, #tpu.memory_space<vmem>>, vector<512x1xi32>
    tpu.vector_store %arg4[%swap3A, %swap3A_17], %broadcast_in_dim3A_11 {strides = array<i32>} : memref<512x1xi32, #tpu.memory_space<vmem>>, vector<512x1xi32>,
    %sub3A = arith.subf %broadcast_in_dim3A_16, %broadcast_in_dim3A : vector<512x1xf32>
    %exp3A = math.exp %sub3A : vector<512x1xf32>
    %add3A_19 = arith.constant 1.000000e+00 : f32
    %add3A_20 = vector.broadcast %add3A_19 : f32 to vector<512x1xf32>
    %add3A_21 = arith.addf %add3A_20, %exp3A : vector<512x1xf32>
    %div3A = arith.constant 1.000000e+00 : f32
    %div3A_22 = vector.broadcast %div3A : f32 to vector<512x1xf32>
    %div3A_23 = arith.divf %div3A_22, %add3A_21 : vector<512x1xf32>
    %swap3A_24 = arith.constant 0 : index
    %swap3A_25 = arith.constant 0 : index
    %swap3A_26 = vector.load %arg5[%swap3A_24, %swap3A_25] : memref<512x1xf32, #tpu.memory_space<vmem>>, vector<512x1xf32>
    tpu.vector_store %arg5[%swap3A_24, %swap3A_25], %div3A_23 {strides = array<i32>} : memref<512x1xf32, #tpu.memory_space<vmem>>, vector<512x1xf32>,
    return
  }
  func.func @transform_0(%arg0: i32) -> (i32, i32) {
    %c0_i32 = arith.constant 0 : i32
    %c0_i32_0 = arith.constant 0 : i32
    return %arg0, %c0_i32 : i32, i32
  }
  func.func @transform_1(%arg0: i32) -> (i32, i32) {
    %c0_i32 = arith.constant 0 : i32
    %c0_i32_0 = arith.constant 0 : i32
    %c0_i32_1 = arith.constant 0 : i32
    return %c0_i32, %c0_i32_0 : i32, i32
  }
  func.func @transform_2(%arg0: i32) -> (i32, i32) {
    %c0_i32 = arith.constant 0 : i32
    %c0_i32_0 = arith.constant 0 : i32
    %c0_i32_1 = arith.constant 0 : i32
    return %c0_i32, %c0_i32_0 : i32, i32
  }
  func.func @transform_3(%arg0: i32) -> (i32, i32) {
    %c0_i32 = arith.constant 0 : i32
    %c0_i32_0 = arith.constant 0 : i32
    return %arg0, %c0_i32 : i32, i32
  }
  func.func @transform_4(%arg0: i32) -> (i32, i32) {
    %c0_i32 = arith.constant 0 : i32
    %c0_i32_0 = arith.constant 0 : i32
    return %arg0, %c0_i32 : i32, i32
  }
}

module attributes {stable_mosaic.version = 14 : i64} {
  func.func @_ffn_body(%arg0: i32, %arg1: i32, %arg2: memref<9xi32, #tpu.memory_space<smem>>, %arg3: memref<3840x1024xf32, #tpu.memory_space<vmem>>, %arg4: memref<1x1024x1024xf32, #tpu.memory_space<vmem>>, %arg5: memref<1x1x1024xf32, #tpu.memory_space<vmem>>, %arg6: memref<1x1024x1024xf32, #tpu.memory_space<vmem>>, %arg7: memref<1x1x1024xf32, #tpu.memory_space<vmem>>, %arg8: memref<3840x1xf32, #tpu.memory_space<vmem>>, %arg9: memref<3840x1024xf32, #tpu.memory_space<vmem>>) attributes {dimension_semantics = [#tpu.dimension_semantics<arbitrary>, #tpu.dimension_semantics<arbitrary>], iteration_bounds = array<i64: 4, 8>, scalar_prefetch = 1 : i64, scratch_operands = 0 : i64, tpu.core_type = #tpu.core_type<tc>, window_params = [{pipeline_mode = #tpu.pipeline_mode<synchronous>, transform_indices = @transform_0, window_bounds = array<i64: 3840, 1024>}, {transform_indices = @transform_1, window_bounds = array<i64: 1, 1024, 1024>}, {transform_indices = @transform_2, window_bounds = array<i64: 1, 1, 1024>}, {transform_indices = @transform_3, window_bounds = array<i64: 1, 1024, 1024>}, {transform_indices = @transform_4, window_bounds = array<i64: 1, 1, 1024>}, {pipeline_mode = #tpu.pipeline_mode<synchronous>, transform_indices = @transform_5, window_bounds = array<i64: 3840, 1>}, {pipeline_mode = #tpu.pipeline_mode<synchronous>, transform_indices = @transform_6, window_bounds = array<i64: 3840, 1024>}]} {
    %get3A = arith.index_cast %arg1 : i32 to index
    %get3A_0 = memref.load %arg2[%get3A] : memref<9xi32, #tpu.memory_space<smem>>
    %add3A = arith.constant 1 : i32
    %add3A_1 = arith.addi %arg1, %add3A : i32
    %get3A_2 = arith.index_cast %add3A_1 : i32 to index
    %get3A_3 = memref.load %arg2[%get3A_2] : memref<9xi32, #tpu.memory_space<smem>>
    %while3A = arith.constant 0 : i32
    %while3A_4 = arith.subi %get3A_3, %get3A_0 : i32
    %while3A_5 = arith.addi %get3A_0, %while3A_4 : i32
    %while3A_6 = arith.constant 1 : i32
    %while3A_7 = arith.divsi %while3A_4, %while3A_6 : i32
    %while3A_8 = arith.muli %while3A_7, %while3A_6 : i32
    %while3A_9 = arith.addi %get3A_0, %while3A_8 : i32
    %while3A_10 = arith.constant 1 : i32
    scf.for %while3A_12 = %get3A_0 to %while3A_9 step %while3A_10  : i32 {
      %mul3A = arith.constant 256 : i32
      %mul3A_13 = arith.muli %while3A_12, %mul3A : i32
      %get3A_14 = arith.index_cast %mul3A_13 : i32 to index
      %get3A_15 = arith.constant 0 : index
      %get3A_16 = vector.load %arg3[%get3A_14, %get3A_15] : memref<3840x1024xf32, #tpu.memory_space<vmem>>, vector<256x1024xf32>
      %get3A_17 = arith.constant 0 : index
      %get3A_18 = arith.constant 0 : index
      %get3A_19 = arith.constant 0 : index
      %get3A_20 = vector.load %arg4[%get3A_17, %get3A_18, %get3A_19] : memref<1x1024x1024xf32, #tpu.memory_space<vmem>>, vector<1x1024x1024xf32>
      %get3A_21 = vector.shape_cast %get3A_20 : vector<1x1024x1024xf32> to vector<1024x1024xf32>
      %dot_general3A = arith.constant dense<0.000000e+00> : vector<256x1024xf32>
      %dot_general3A_22 = tpu.matmul %get3A_16, %get3A_21, %dot_general3A {dimension_numbers = #tpu.dot_dimension_numbers<[1], [1], [0], [0], [0, 0, 1, 0], [], []>, transpose_lhs_hint = false} : vector<256x1024xf32>, vector<1024x1024xf32>, vector<256x1024xf32> -> vector<256x1024xf32>
      %get3A_23 = arith.constant 0 : index
      %get3A_24 = arith.constant 0 : index
      %get3A_25 = arith.constant 0 : index
      %get3A_26 = vector.load %arg5[%get3A_23, %get3A_24, %get3A_25] : memref<1x1x1024xf32, #tpu.memory_space<vmem>>, vector<1x1x1024xf32>
      %get3A_27 = vector.shape_cast %get3A_26 : vector<1x1x1024xf32> to vector<1x1024xf32>
      %add3A_28 = vector.broadcast %get3A_27 : vector<1x1024xf32> to vector<256x1024xf32>
      %add3A_29 = arith.addf %dot_general3A_22, %add3A_28 : vector<256x1024xf32>
      %mul3A_30 = arith.constant 5.000000e-01 : f32
      %mul3A_31 = vector.broadcast %mul3A_30 : f32 to vector<256x1024xf32>
      %mul3A_32 = arith.mulf %mul3A_31, %add3A_29 : vector<256x1024xf32>
      %mul3A_33 = arith.constant 0.707106769 : f32
      %mul3A_34 = vector.broadcast %mul3A_33 : f32 to vector<256x1024xf32>
      %mul3A_35 = arith.mulf %add3A_29, %mul3A_34 : vector<256x1024xf32>
      %erf3A = math.erf %mul3A_35 : vector<256x1024xf32>
      %add3A_36 = arith.constant 1.000000e+00 : f32
      %add3A_37 = vector.broadcast %add3A_36 : f32 to vector<256x1024xf32>
      %add3A_38 = arith.addf %add3A_37, %erf3A : vector<256x1024xf32>
      %mul3A_39 = arith.mulf %mul3A_32, %add3A_38 : vector<256x1024xf32>
      %get3A_40 = arith.constant 0 : index
      %get3A_41 = arith.constant 0 : index
      %get3A_42 = arith.constant 0 : index
      %get3A_43 = vector.load %arg6[%get3A_40, %get3A_41, %get3A_42] : memref<1x1024x1024xf32, #tpu.memory_space<vmem>>, vector<1x1024x1024xf32>
      %get3A_44 = vector.shape_cast %get3A_43 : vector<1x1024x1024xf32> to vector<1024x1024xf32>
      %dot_general3A_45 = arith.constant dense<0.000000e+00> : vector<256x1024xf32>
      %dot_general3A_46 = tpu.matmul %mul3A_39, %get3A_44, %dot_general3A_45 {dimension_numbers = #tpu.dot_dimension_numbers<[1], [1], [0], [0], [0, 0, 1, 0], [], []>, transpose_lhs_hint = false} : vector<256x1024xf32>, vector<1024x1024xf32>, vector<256x1024xf32> -> vector<256x1024xf32>
      %eq3A = arith.constant 0 : i32
      %eq3A_47 = arith.cmpi eq, %arg0, %eq3A : i32
      %convert_element_type3A = arith.extui %eq3A_47 : i1 to i32
      %cond3A = arith.constant 0 : i32
      %cond3A_48 = arith.cmpi ne, %convert_element_type3A, %cond3A : i32
      scf.if %cond3A_48 {
        %swap3A = arith.index_cast %mul3A_13 : i32 to index
        %swap3A_59 = arith.constant 0 : index
        %swap3A_60 = vector.load %arg9[%swap3A, %swap3A_59] : memref<3840x1024xf32, #tpu.memory_space<vmem>>, vector<256x1024xf32>
        tpu.vector_store %arg9[%swap3A, %swap3A_59], %dot_general3A_46 {strides = array<i32>} : memref<3840x1024xf32, #tpu.memory_space<vmem>>, vector<256x1024xf32>,
      } else {
      }
      %gt3A = arith.constant 0 : i32
      %gt3A_49 = arith.cmpi sgt, %arg0, %gt3A : i32
      %lt3A = arith.constant 3 : i32
      %lt3A_50 = arith.cmpi slt, %arg0, %lt3A : i32
      %and3A = arith.andi %gt3A_49, %lt3A_50 : i1
      %convert_element_type3A_51 = arith.extui %and3A : i1 to i32
      %cond3A_52 = arith.constant 0 : i32
      %cond3A_53 = arith.cmpi ne, %convert_element_type3A_51, %cond3A_52 : i32
      scf.if %cond3A_53 {
        %get3A_59 = arith.index_cast %mul3A_13 : i32 to index
        %get3A_60 = arith.constant 0 : index
        %get3A_61 = vector.load %arg9[%get3A_59, %get3A_60] : memref<3840x1024xf32, #tpu.memory_space<vmem>>, vector<256x1024xf32>
        %add3A_62 = arith.addf %get3A_61, %dot_general3A_46 : vector<256x1024xf32>
        %swap3A = arith.index_cast %mul3A_13 : i32 to index
        %swap3A_63 = arith.constant 0 : index
        %swap3A_64 = vector.load %arg9[%swap3A, %swap3A_63] : memref<3840x1024xf32, #tpu.memory_space<vmem>>, vector<256x1024xf32>
        tpu.vector_store %arg9[%swap3A, %swap3A_63], %add3A_62 {strides = array<i32>} : memref<3840x1024xf32, #tpu.memory_space<vmem>>, vector<256x1024xf32>,
      } else {
      }
      %eq3A_54 = arith.constant 3 : i32
      %eq3A_55 = arith.cmpi eq, %arg0, %eq3A_54 : i32
      %convert_element_type3A_56 = arith.extui %eq3A_55 : i1 to i32
      %cond3A_57 = arith.constant 0 : i32
      %cond3A_58 = arith.cmpi ne, %convert_element_type3A_56, %cond3A_57 : i32
      scf.if %cond3A_58 {
        %get3A_59 = arith.index_cast %mul3A_13 : i32 to index
        %get3A_60 = arith.constant 0 : index
        %get3A_61 = vector.load %arg9[%get3A_59, %get3A_60] : memref<3840x1024xf32, #tpu.memory_space<vmem>>, vector<256x1024xf32>
        %add3A_62 = arith.addf %get3A_61, %dot_general3A_46 : vector<256x1024xf32>
        %get3A_63 = arith.constant 0 : index
        %get3A_64 = arith.constant 0 : index
        %get3A_65 = arith.constant 0 : index
        %get3A_66 = vector.load %arg7[%get3A_63, %get3A_64, %get3A_65] : memref<1x1x1024xf32, #tpu.memory_space<vmem>>, vector<1x1x1024xf32>
        %get3A_67 = vector.shape_cast %get3A_66 : vector<1x1x1024xf32> to vector<1x1024xf32>
        %add3A_68 = vector.broadcast %get3A_67 : vector<1x1024xf32> to vector<256x1024xf32>
        %add3A_69 = arith.addf %add3A_62, %add3A_68 : vector<256x1024xf32>
        %get3A_70 = arith.index_cast %mul3A_13 : i32 to index
        %get3A_71 = arith.constant 0 : index
        %get3A_72 = vector.load %arg8[%get3A_70, %get3A_71] : memref<3840x1xf32, #tpu.memory_space<vmem>>, vector<256x1xf32>
        %mul3A_73 = vector.broadcast %get3A_72 : vector<256x1xf32> to vector<256x1024xf32>
        %mul3A_74 = arith.mulf %add3A_69, %mul3A_73 : vector<256x1024xf32>
        %swap3A = arith.index_cast %mul3A_13 : i32 to index
        %swap3A_75 = arith.constant 0 : index
        %swap3A_76 = vector.load %arg9[%swap3A, %swap3A_75] : memref<3840x1024xf32, #tpu.memory_space<vmem>>, vector<256x1024xf32>
        tpu.vector_store %arg9[%swap3A, %swap3A_75], %mul3A_74 {strides = array<i32>} : memref<3840x1024xf32, #tpu.memory_space<vmem>>, vector<256x1024xf32>,
      } else {
      }
    }
    %while3A_11 = arith.constant 1 : i32
    scf.for %while3A_12 = %while3A_9 to %while3A_5 step %while3A_11  : i32 {
      %mul3A = arith.constant 256 : i32
      %mul3A_13 = arith.muli %while3A_12, %mul3A : i32
      %get3A_14 = arith.index_cast %mul3A_13 : i32 to index
      %get3A_15 = arith.constant 0 : index
      %get3A_16 = vector.load %arg3[%get3A_14, %get3A_15] : memref<3840x1024xf32, #tpu.memory_space<vmem>>, vector<256x1024xf32>
      %get3A_17 = arith.constant 0 : index
      %get3A_18 = arith.constant 0 : index
      %get3A_19 = arith.constant 0 : index
      %get3A_20 = vector.load %arg4[%get3A_17, %get3A_18, %get3A_19] : memref<1x1024x1024xf32, #tpu.memory_space<vmem>>, vector<1x1024x1024xf32>
      %get3A_21 = vector.shape_cast %get3A_20 : vector<1x1024x1024xf32> to vector<1024x1024xf32>
      %dot_general3A = arith.constant dense<0.000000e+00> : vector<256x1024xf32>
      %dot_general3A_22 = tpu.matmul %get3A_16, %get3A_21, %dot_general3A {dimension_numbers = #tpu.dot_dimension_numbers<[1], [1], [0], [0], [0, 0, 1, 0], [], []>, transpose_lhs_hint = false} : vector<256x1024xf32>, vector<1024x1024xf32>, vector<256x1024xf32> -> vector<256x1024xf32>
      %get3A_23 = arith.constant 0 : index
      %get3A_24 = arith.constant 0 : index
      %get3A_25 = arith.constant 0 : index
      %get3A_26 = vector.load %arg5[%get3A_23, %get3A_24, %get3A_25] : memref<1x1x1024xf32, #tpu.memory_space<vmem>>, vector<1x1x1024xf32>
      %get3A_27 = vector.shape_cast %get3A_26 : vector<1x1x1024xf32> to vector<1x1024xf32>
      %add3A_28 = vector.broadcast %get3A_27 : vector<1x1024xf32> to vector<256x1024xf32>
      %add3A_29 = arith.addf %dot_general3A_22, %add3A_28 : vector<256x1024xf32>
      %mul3A_30 = arith.constant 5.000000e-01 : f32
      %mul3A_31 = vector.broadcast %mul3A_30 : f32 to vector<256x1024xf32>
      %mul3A_32 = arith.mulf %mul3A_31, %add3A_29 : vector<256x1024xf32>
      %mul3A_33 = arith.constant 0.707106769 : f32
      %mul3A_34 = vector.broadcast %mul3A_33 : f32 to vector<256x1024xf32>
      %mul3A_35 = arith.mulf %add3A_29, %mul3A_34 : vector<256x1024xf32>
      %erf3A = math.erf %mul3A_35 : vector<256x1024xf32>
      %add3A_36 = arith.constant 1.000000e+00 : f32
      %add3A_37 = vector.broadcast %add3A_36 : f32 to vector<256x1024xf32>
      %add3A_38 = arith.addf %add3A_37, %erf3A : vector<256x1024xf32>
      %mul3A_39 = arith.mulf %mul3A_32, %add3A_38 : vector<256x1024xf32>
      %get3A_40 = arith.constant 0 : index
      %get3A_41 = arith.constant 0 : index
      %get3A_42 = arith.constant 0 : index
      %get3A_43 = vector.load %arg6[%get3A_40, %get3A_41, %get3A_42] : memref<1x1024x1024xf32, #tpu.memory_space<vmem>>, vector<1x1024x1024xf32>
      %get3A_44 = vector.shape_cast %get3A_43 : vector<1x1024x1024xf32> to vector<1024x1024xf32>
      %dot_general3A_45 = arith.constant dense<0.000000e+00> : vector<256x1024xf32>
      %dot_general3A_46 = tpu.matmul %mul3A_39, %get3A_44, %dot_general3A_45 {dimension_numbers = #tpu.dot_dimension_numbers<[1], [1], [0], [0], [0, 0, 1, 0], [], []>, transpose_lhs_hint = false} : vector<256x1024xf32>, vector<1024x1024xf32>, vector<256x1024xf32> -> vector<256x1024xf32>
      %eq3A = arith.constant 0 : i32
      %eq3A_47 = arith.cmpi eq, %arg0, %eq3A : i32
      %convert_element_type3A = arith.extui %eq3A_47 : i1 to i32
      %cond3A = arith.constant 0 : i32
      %cond3A_48 = arith.cmpi ne, %convert_element_type3A, %cond3A : i32
      scf.if %cond3A_48 {
        %swap3A = arith.index_cast %mul3A_13 : i32 to index
        %swap3A_59 = arith.constant 0 : index
        %swap3A_60 = vector.load %arg9[%swap3A, %swap3A_59] : memref<3840x1024xf32, #tpu.memory_space<vmem>>, vector<256x1024xf32>
        tpu.vector_store %arg9[%swap3A, %swap3A_59], %dot_general3A_46 {strides = array<i32>} : memref<3840x1024xf32, #tpu.memory_space<vmem>>, vector<256x1024xf32>,
      } else {
      }
      %gt3A = arith.constant 0 : i32
      %gt3A_49 = arith.cmpi sgt, %arg0, %gt3A : i32
      %lt3A = arith.constant 3 : i32
      %lt3A_50 = arith.cmpi slt, %arg0, %lt3A : i32
      %and3A = arith.andi %gt3A_49, %lt3A_50 : i1
      %convert_element_type3A_51 = arith.extui %and3A : i1 to i32
      %cond3A_52 = arith.constant 0 : i32
      %cond3A_53 = arith.cmpi ne, %convert_element_type3A_51, %cond3A_52 : i32
      scf.if %cond3A_53 {
        %get3A_59 = arith.index_cast %mul3A_13 : i32 to index
        %get3A_60 = arith.constant 0 : index
        %get3A_61 = vector.load %arg9[%get3A_59, %get3A_60] : memref<3840x1024xf32, #tpu.memory_space<vmem>>, vector<256x1024xf32>
        %add3A_62 = arith.addf %get3A_61, %dot_general3A_46 : vector<256x1024xf32>
        %swap3A = arith.index_cast %mul3A_13 : i32 to index
        %swap3A_63 = arith.constant 0 : index
        %swap3A_64 = vector.load %arg9[%swap3A, %swap3A_63] : memref<3840x1024xf32, #tpu.memory_space<vmem>>, vector<256x1024xf32>
        tpu.vector_store %arg9[%swap3A, %swap3A_63], %add3A_62 {strides = array<i32>} : memref<3840x1024xf32, #tpu.memory_space<vmem>>, vector<256x1024xf32>,
      } else {
      }
      %eq3A_54 = arith.constant 3 : i32
      %eq3A_55 = arith.cmpi eq, %arg0, %eq3A_54 : i32
      %convert_element_type3A_56 = arith.extui %eq3A_55 : i1 to i32
      %cond3A_57 = arith.constant 0 : i32
      %cond3A_58 = arith.cmpi ne, %convert_element_type3A_56, %cond3A_57 : i32
      scf.if %cond3A_58 {
        %get3A_59 = arith.index_cast %mul3A_13 : i32 to index
        %get3A_60 = arith.constant 0 : index
        %get3A_61 = vector.load %arg9[%get3A_59, %get3A_60] : memref<3840x1024xf32, #tpu.memory_space<vmem>>, vector<256x1024xf32>
        %add3A_62 = arith.addf %get3A_61, %dot_general3A_46 : vector<256x1024xf32>
        %get3A_63 = arith.constant 0 : index
        %get3A_64 = arith.constant 0 : index
        %get3A_65 = arith.constant 0 : index
        %get3A_66 = vector.load %arg7[%get3A_63, %get3A_64, %get3A_65] : memref<1x1x1024xf32, #tpu.memory_space<vmem>>, vector<1x1x1024xf32>
        %get3A_67 = vector.shape_cast %get3A_66 : vector<1x1x1024xf32> to vector<1x1024xf32>
        %add3A_68 = vector.broadcast %get3A_67 : vector<1x1024xf32> to vector<256x1024xf32>
        %add3A_69 = arith.addf %add3A_62, %add3A_68 : vector<256x1024xf32>
        %get3A_70 = arith.index_cast %mul3A_13 : i32 to index
        %get3A_71 = arith.constant 0 : index
        %get3A_72 = vector.load %arg8[%get3A_70, %get3A_71] : memref<3840x1xf32, #tpu.memory_space<vmem>>, vector<256x1xf32>
        %mul3A_73 = vector.broadcast %get3A_72 : vector<256x1xf32> to vector<256x1024xf32>
        %mul3A_74 = arith.mulf %add3A_69, %mul3A_73 : vector<256x1024xf32>
        %swap3A = arith.index_cast %mul3A_13 : i32 to index
        %swap3A_75 = arith.constant 0 : index
        %swap3A_76 = vector.load %arg9[%swap3A, %swap3A_75] : memref<3840x1024xf32, #tpu.memory_space<vmem>>, vector<256x1024xf32>
        tpu.vector_store %arg9[%swap3A, %swap3A_75], %mul3A_74 {strides = array<i32>} : memref<3840x1024xf32, #tpu.memory_space<vmem>>, vector<256x1024xf32>,
      } else {
      }
    }
    return
  }
  func.func @transform_0(%arg0: i32, %arg1: i32, %arg2: memref<9xi32, #tpu.memory_space<smem>>) -> (i32, i32) {
    %c0_i32 = arith.constant 0 : i32
    %c0_i32_0 = arith.constant 0 : i32
    %c0_i32_1 = arith.constant 0 : i32
    return %c0_i32, %c0_i32_0 : i32, i32
  }
  func.func @transform_1(%arg0: i32, %arg1: i32, %arg2: memref<9xi32, #tpu.memory_space<smem>>) -> (i32, i32, i32) {
    %c0_i32 = arith.constant 0 : i32
    %c0_i32_0 = arith.constant 0 : i32
    return %arg1, %arg0, %c0_i32 : i32, i32, i32
  }
  func.func @transform_2(%arg0: i32, %arg1: i32, %arg2: memref<9xi32, #tpu.memory_space<smem>>) -> (i32, i32, i32) {
    %c0_i32 = arith.constant 0 : i32
    %c0_i32_0 = arith.constant 0 : i32
    return %arg1, %c0_i32, %arg0 : i32, i32, i32
  }
  func.func @transform_3(%arg0: i32, %arg1: i32, %arg2: memref<9xi32, #tpu.memory_space<smem>>) -> (i32, i32, i32) {
    %c0_i32 = arith.constant 0 : i32
    %c0_i32_0 = arith.constant 0 : i32
    return %arg1, %c0_i32, %arg0 : i32, i32, i32
  }
  func.func @transform_4(%arg0: i32, %arg1: i32, %arg2: memref<9xi32, #tpu.memory_space<smem>>) -> (i32, i32, i32) {
    %c0_i32 = arith.constant 0 : i32
    %c0_i32_0 = arith.constant 0 : i32
    %c0_i32_1 = arith.constant 0 : i32
    return %arg1, %c0_i32, %c0_i32_0 : i32, i32, i32
  }
  func.func @transform_5(%arg0: i32, %arg1: i32, %arg2: memref<9xi32, #tpu.memory_space<smem>>) -> (i32, i32) {
    %c0_i32 = arith.constant 0 : i32
    %c0_i32_0 = arith.constant 0 : i32
    %c0_i32_1 = arith.constant 0 : i32
    return %c0_i32, %c0_i32_0 : i32, i32
  }
  func.func @transform_6(%arg0: i32, %arg1: i32, %arg2: memref<9xi32, #tpu.memory_space<smem>>) -> (i32, i32) {
    %c0_i32 = arith.constant 0 : i32
    %c0_i32_0 = arith.constant 0 : i32
    %c0_i32_1 = arith.constant 0 : i32
    return %c0_i32, %c0_i32_0 : i32, i32
  }
}

</mosaic_0001>

<sc_bundles>
// kernel: gather_offload_async_start
scs
__scs_entry_jumppad:
0x0: {  	(pc) =	sbr.rel $0x88, $3  }
0x1: {  	(tag) =	ssettag $0x0;
	lr =	simm.s32 $0x1  }
0x2: {  	[smem:$0x3F9A] =	sst lr;
	_ =	strace $0xD0000000  }
0x3: {  	_ = 	snop  }
0x4: {  	_ = 	snop  }
0x5: {  	_ = 	snop  }
0x6: {  	_ = 	snop  }
0x7: {  	_ = 	snop  }
__scs_overlays_trampoline_lowered:
0x8: {  	[smem:$0x3FA9] =	sst s0  }
0x9: {  	[smem:$0x3FAA] =	sst s1  }
0xa: {  	[smem:$0x3FAB] =	sst s2  }
0xb: {  	[smem:$0x3FAC] =	sst s3  }
0xc: {  	[smem:$0x3FAD] =	sst s4  }
0xd: {  	[smem:$0x3FAE] =	sst s5  }
0xe: {  	[smem:$0x3FAF] =	sst s6  }
0xf: {  	[smem:$0x3FB0] =	sst s7  }
0x10: {  	[smem:$0x3FB1] =	sst s8  }
0x11: {  	[smem:$0x3FB2] =	sst s9;
	s0 =	simm.s32 @!p0 $0x0  }
0x12: {  	s1 =	sld [smem:$0x3F98];
	s0 =	simm.s32 @p0 $0x1  }
0x13: {  	[smem:$0x3FB3] =	sst s0;
	s0 =	simm.s32 @!p1 $0x0  }
0x14: {  	s2 =	sld [smem:$0x3F97];
	s0 =	simm.s32 @p1 $0x1  }
0x15: {  	[smem:$0x3FB4] =	sst s0;
	s0 =	simm.s32 @!p2 $0x0  }
0x16: {  	s3 =	sld [smem:$0x3FDB];
	s0 =	simm.s32 @p2 $0x1  }
0x17: {  	s4 =	simm.s32 $0x1BF5;
	[smem:$0x3FB6] =	sst s0  }
0x18: {  	s0 =	sld [smem:$0x3F99];
	_ =	swait.ge [sflag:s4], $0x0  }
0x19: {  	s7 =	sld [smem:$0x3F9A]  }
0x1a: {  	s8 =	sadd.s32 $0xFFFFE003, lr  }
0x1b: {  	s9 =	sadd.s32 $0xFFFFFEF7, lr;
	s5 =	simm.s32 $0xFFFFFFFF;
	p2 =	slt.u32 s8, $0xFFFFF086  }
0x1c: {  	p1 =	slt.u32 s9, $0xF7A;
	s5 =	simm.s32 @!p2 $0x0  }
0x1d: {  	s5 =	simm.s32 @p1 $0x1;
	p0 =	seq.s32 s7, s2  }
0x1e: {  	s7 =	smul.u32 @!p0 $0xF7A, s2;
	p2 =	seq.s32 @!p0 s5, $0x0  }
0x1f: {  	s9 =	smul.u32 $0xF7A, s1;
	s8 =	simm.s32 @!p0 $0x1BF5;
	p2 =	por !p2, p0  }
0x20: {  	[sflag:s8] =	ssyncset.s32 @!p0 $0xFFFFF086;
	s6 =	sadd.s32 @!p0 s3, s7;
	s7 =	simm.s32 @!p0 $0x108  }
0x21: {  	s3 =	sadd.s32 s3, s9;
	s6 =	sadd.s32 @!p0 $0x88, s6;
	s7 =	simm.s32 @p2 $0x1082  }
0x22: {  	[simem:s7], [sflag:s8] =	dma.local @!p0 [hbm:s6], $0xF7A  }
0x23: {  	s9 =	sor.u32 $0xD0000000, s2;
	s6 =	simm.s32 $0x108;
	_ =	swait.ge @!p0 [sflag:s8], $0x0  }
0x24: {  	s3 =	sadd.s32 $0x88, s3;
	s6 =	simm.s32 @!p1 $0x1082;
	[sflag:s4] =	ssyncset.s32 $0xFFFFF086  }
0x25: {  	[simem:s6], [sflag:s4] =	dma.local [hbm:s3], $0xF7A  }
0x26: {  	[smem:$0x3F9A] =	sst s1;
	(tag) =	ssettag s2;
	_ =	strace s9  }
0x27: {  	s1 =	sld [smem:$0x3FAA]  }
0x28: {  	s2 =	sld [smem:$0x3FAB]  }
0x29: {  	s4 =	sld [smem:$0x3FAD]  }
0x2a: {  	p0 =	seq.s32 s5, $0x0;
	s5 =	sld [smem:$0x3FAE]  }
0x2b: {  	s6 =	sld [smem:$0x3FAF]  }
0x2c: {  	s7 =	sld [smem:$0x3FB0]  }
0x2d: {  	s3 =	simm.s32 $0x108;
	s8 =	sld [smem:$0x3FB1]  }
0x2e: {  	s3 =	simm.s32 @!p0 $0x1082;
	s9 =	sld [smem:$0x3FB2]  }
0x2f: {  	lr =	sadd.s32 s0, s3;
	s0 =	sld [smem:$0x3FA9]  }
0x30: {  	s3 =	sld [smem:$0x3FAC]  }
0x31: {  	[smem:$0x3FB5] =	sst s10  }
0x32: {  	s10 =	sld [smem:$0x3FB3];
	_ =	sdelay $0x3  }
0x33: {  	p0 =	seq.s32 s10, $0x1;
	s10 =	sld [smem:$0x3FB5];
	_ =	sdelay $0x3  }
0x34: {  	[smem:$0x3FB5] =	sst s10  }
0x35: {  	s10 =	sld [smem:$0x3FB4];
	_ =	sdelay $0x3  }
0x36: {  	p1 =	seq.s32 s10, $0x1;
	s10 =	sld [smem:$0x3FB5];
	_ =	sdelay $0x3  }
0x37: {  	[smem:$0x3FB5] =	sst s10  }
0x38: {  	s10 =	sld [smem:$0x3FB6]  }
0x39: {  	_ = 	snop;
	(pc) =	sbr.ind lr, $3  }
0x3a: {  	_ = 	snop  }
0x3b: {  	_ = 	snop  }
0x3c: {  	p2 =	seq.s32 s10, $0x1;
	s10 =	sld [smem:$0x3FB5]  }
0x3d: {  	_ =	shalt  }
0x3e: {  	_ =	shalt  }
0x3f: {  	_ =	shalt  }
0x40: {  	_ =	shalt  }
0x41: {  	_ =	shalt  }
0x42: {  	_ =	shalt  }
0x43: {  	_ =	shalt  }
0x44: {  	_ =	shalt  }
0x45: {  	_ =	shalt  }
0x46: {  	_ =	shalt  }
0x47: {  	_ =	shalt  }
0x48: {  	_ =	shalt  }
0x49: {  	_ =	shalt  }
0x4a: {  	_ =	shalt  }
0x4b: {  	_ =	shalt  }
0x4c: {  	_ =	shalt  }
0x4d: {  	_ =	shalt  }
0x4e: {  	_ =	shalt  }
0x4f: {  	_ =	shalt  }
0x50: {  	_ =	shalt  }
0x51: {  	_ =	shalt  }
0x52: {  	_ =	shalt  }
0x53: {  	_ =	shalt  }
0x54: {  	_ =	shalt  }
0x55: {  	_ =	shalt  }
0x56: {  	_ =	shalt  }
0x57: {  	_ =	shalt  }
0x58: {  	_ =	shalt  }
0x59: {  	_ =	shalt  }
0x5a: {  	_ =	shalt  }
0x5b: {  	_ =	shalt  }
0x5c: {  	_ =	shalt  }
0x5d: {  	_ =	shalt  }
0x5e: {  	_ =	shalt  }
0x5f: {  	_ =	shalt  }
0x60: {  	_ =	shalt  }
0x61: {  	_ =	shalt  }
0x62: {  	_ =	shalt  }
0x63: {  	_ =	shalt  }
0x64: {  	_ =	shalt  }
0x65: {  	_ =	shalt  }
0x66: {  	_ =	shalt  }
0x67: {  	_ =	shalt  }
0x68: {  	_ =	shalt  }
0x69: {  	_ =	shalt  }
0x6a: {  	_ =	shalt  }
0x6b: {  	_ =	shalt  }
0x6c: {  	_ =	shalt  }
0x6d: {  	_ =	shalt  }
0x6e: {  	_ =	shalt  }
0x6f: {  	_ =	shalt  }
0x70: {  	_ =	shalt  }
0x71: {  	_ =	shalt  }
0x72: {  	_ =	shalt  }
0x73: {  	_ =	shalt  }
0x74: {  	_ =	shalt  }
0x75: {  	_ =	shalt  }
0x76: {  	_ =	shalt  }
0x77: {  	_ =	shalt  }
0x78: {  	_ =	shalt  }
0x79: {  	_ =	shalt  }
0x7a: {  	_ =	shalt  }
0x7b: {  	_ =	shalt  }
0x7c: {  	_ =	shalt  }
0x7d: {  	_ =	shalt  }
0x7e: {  	_ =	shalt  }
0x7f: {  	_ =	shalt  }
0x80: {  	_ =	shalt  }
0x81: {  	_ =	shalt  }
0x82: {  	_ =	shalt  }
0x83: {  	_ =	shalt  }
0x84: {  	_ =	shalt  }
0x85: {  	_ =	shalt  }
0x86: {  	_ =	shalt  }
0x87: {  	_ =	shalt  }
.Lfunc_end0:
.L_simem_size_0:
called_computation_lowered:
.L_overlay_start_0:
0x88: {  	s2 =	sld [smem:$0x3FD9]  }
0x89: {  	s3 =	sld [smem:$0x3FFE];
	_ =	sdelay $0x1  }
0x8a: {  	s1 =	srdreg.scid  }
0x8b: {  	s0 =	sand.u32 $0x1, s1  }
0x8c: {  	s17 =	sshll.u32 s0, $0xA;
	s2 =	sadd.s32 s3, s2  }
0x8d: {  	s2 =	sadd.s32 s2, s17  }
0x8e: {  	[smem:$0x3FC1] =	sst s2  }
0x8f: {  	_ = 	snop  }
0x90: {  	s2 =	sld [smem:$0x3FD0];
	(tm) =	ssettm $0x1  }
0x91: {  	s18 =	sld [smem:$0x3FFB];
	_ =	sdelay $0x3  }
0x92: {  	_ =	strace s18  }
0x93: {  	s3 =	sld [smem:$0x3FFC];
	_ =	sdelay $0x3  }
0x94: {  	_ =	strace s3  }
0x95: {  	s3 =	sld [smem:$0x3FFD];
	_ =	sdelay $0x3  }
0x96: {  	_ =	strace s3  }
0x97: {  	_ =	strace $0x8FFFFFFF  }
0x98: {  	s19 =	sld [smem:$0x3FDB];
	_ =	sdelay $0x1  }
0x99: {  	s4 =	simm.s32 $_scs_section_size  }
0x9a: {  	s5 =	simm.s32 $_size__tile_overlayer_lowered;
	s6 =	simm.s32 $_tile_overlayer_lowered  }
0x9b: {  	s22 =	simm.s32 $0x1BFF;
	s21 =	sshll.u32 s6, $0x1;
	s3 =	sadd.s32 s4, s19  }
0x9c: {  	s7 =	simm.s32 $0x0;
	s20 =	sshll.u32 s5, $0x1;
	s5 =	sadd.s32 s21, s3  }
0x9d: {  	[timem:s7], [sflag:s22] =	dma.local [hbm:s5], s20  }
0x9e: {  	_ =	swait.ge [sflag:s22], s20  }
0x9f: {  	s4 =	ssub.s32 $0x0, s20;
	[sflag:s22] =	ssyncset.done $0x0  }
0xa0: {  	[sflag:s22] =	ssyncadd.s32 s4;
	_ =	sdelay $0x1  }
0xa1: {  	s23 =	simm.s32 $0x1B8B  }
0xa2: {  	_ =	swait.ge [sflag:s23], $0x1  }
0xa3: {  	[sflag:s23] =	ssyncset.done $0x0  }
0xa4: {  	s25 =	simm.s32 $0x1B8E;
	s24 =	sld [smem:$0x3FFE];
	[sflag:s23] =	ssyncadd.s32 $0xFFFFFFFF  }
0xa5: {  	s26 =	simm.s32 $execute0_lowered;
	[smem:$0x3FD2] =	sst s25  }
0xa6: {  	s5 =	sshll.u32 s26, $0x1;
	_ =	strace $0x80000046;
	[dreg:$0x1] =	wrdreg $0xFFFFFFFF  }
0xa7: {  	s28 =	simm.s32 $_size_execute0_lowered;
	s3 =	sadd.s32 s3, s5;
	[dreg:$0x0] =	wrdreg $0x0  }
0xa8: {  	s5 =	sshll.u32 s28, $0x1;
	[dreg:$0x2] =	wrdreg s3  }
0xa9: {  	[dreg:$0x3] =	wrdreg s5  }
0xaa: {  	[dreg:$0x4] =	wrdreg $0xC0  }
0xab: {  	_ =	task [dreg:s7], $0x5FFFF  }
0xac: {  	[dreg:$0x1] =	wrdreg $0xFFFFFFFF  }
0xad: {  	[dreg:$0x0] =	wrdreg $0x60  }
0xae: {  	[dreg:$0x2] =	wrdreg s2  }
0xaf: {  	[dreg:$0x3] =	wrdreg s24  }
0xb0: {  	[dreg:$0x4] =	wrdreg $0x9  }
0xb1: {  	_ =	task.clear_ibuf [dreg:s7], $0x5FFFF;
	_ =	strace $0x90000046  }
0xb2: {  	s29 =	simm.s32 $0x9;
	_ =	strace $0x80000048  }
0xb3: {  	_ =	swait.ge [sflag:s29], $0x1  }
0xb4: {  	[sflag:s29] =	ssyncadd.s32 $0xFFFFFFFF  }
0xb5: {  	_ =	strace $0x90000048  }
0xb6: {  	_ =	sfence  }
0xb7: {  	s30 =	sld [smem:$0x0];
	_ =	sdelay $0x2  }
0xb8: {  	s31 =	sshll.u32 s1, $0xD;
	s1 =	sshrl.u32 s1, $0x2  }
0xb9: {  	s3 =	sand.u32 $0x4000, s31;
	s1 =	sadd.s32 s1, s30  }
0xba: {  	s0 =	sor.u32 s3, s0;
	s1 =	sshll.u32 s1, $0x11  }
0xbb: {  	s0 =	sor.u32 s1, s0  }
0xbc: {  	s0 =	sadd.s32 $0x8F2B, s0  }
0xbd: {  	[sflag:s0] =	ssyncadd.remote.s32 $0x1  }
0xbe: {  	_ =	sfence.sel $0xFFFF  }
0xbf: {  	[dreg:$0x0] =	wrdreg $0xFFFFFFFF;
	(pc) =	sbr.abs _section_cstart, $3  }
0xc0: {  	[dreg:$0x1] =	wrdreg $0xFFFFFFFF  }
0xc1: {  	_ =	task.clear_ibuf [dreg:s7], $0x2FFFF;
	_ =	strace $0x9FFFFFFF  }
0xc2: {  	(tm) =	ssettm $0x7FFFFFFF  }
0xc3: {  	_ =	shalt  }
tec
execute0_lowered:
.L_overlay_start_1:
0x0: {  	(tag) =	ssettag $0x1  }
0x1: {  	s1 =	srdreg.scid  }
0x2: {  	s0 =	stileid.u32;
	s2 =	rddreg [dreg:$0x0]  }
0x3: {  	s3 =	rddreg [dreg:$0x1];
	s5 =	simm.s32 $0x1;
	s1 =	sshll.u32 s1, $0x5  }
0x4: {  	s8 =	simm.s32 $0x1;
	s4 =	sshll.u32 s0, $0x6;
	s1 =	sand.u32 $0x20, s1  }
0x5: {  	s9 =	simm.s32 $0x3;
	s10 =	simm.s32 $0x0;
	s4 =	sor.u32 s4, s1  }
0x6: {  	s13 =	simm.s32 $0x0;
	s1 =	rddreg [dreg:$0x2];
	s7 =	ssub.s32 $0x800, s4  }
.Ltmp0:
0x7: {  	_ =	strace $0x80000047;
	s6 =	sand.u32 $0x3E0, s7;
	(pc) =	sbr.rel .LBB2_1-.Ltmp0, $4  }
0x8: {  	s12 =	simm.s32 $0x0;
	[sflag:s5] =	ssyncpa.u1 $0x0;
	p0 =	sne.s32 s6, $0x0  }
0x9: {  	s7 =	sshrl.u32 s7, $0xA;
	s6 =	simm.s32 $0x2;
	s8 =	simm.s32 @!p0 $0x0  }
0xa: {  	s11 =	smov.u32 s4;
	[sflag:s6] =	ssyncpa.u1 $0x0;
	s7 =	sadd.s32 s8, s7  }
0xb: {  	vm0 =	vmmov $0xffff;
	s8 =	sadd.s32 $0x200, s3;
	[sflag:s9] =	ssyncpa.u1 $0x0;
	s9 =	sadd.s32 $0x1, s7  }
.LBB2_5:
0xc: {  	s15 =	sadd.s32 $0x400, s11  }
0xd: {  	p1 =	sgt.s32 s15, $0x7FF  }
0xe: {  	s15 =	smov.u32 @p1 s4;
	p1 =	sne.s32 s12, s9  }
.Ltmp1:
0xf: {  	p0 =	slt.u32 s12, $0x2;
	(pc) =	sbr.rel @!p1 .LBB2_6-.Ltmp1, $4  }
0x10: {  	s14 =	simm.s32 @!p0 $0x3  }
0x11: {  	_ =	swait.ge @!p0 [sflag:s14], $0x20  }
0x12: {  	s16 =	sadd.s32 $0x1, s12;
	s13 =	smov.u32 s11;
	[sflag:s14] =	ssyncset.done @!p0 $0x0  }
0x13: {  	s12 =	smov.u32 s16;
	s11 =	smov.u32 s15;
	[sflag:s14] =	ssyncadd.s32 @!p0 $0xFFFFFFE0  }
.LBB2_1:
0x14: {  	p0 =	sge.u32 s12, s7  }
0x15: {  	s14 =	sxor.u32 @!p0 $0xFFFFFFFF, s12  }
0x16: {  	s31 =	sadd.s32 $0xFFFFFFFF, s12;
	s15 =	sshrl.u32 @!p0 s11, $0x3;
	s14 =	sshll.u32 @!p0 s14, $0x5  }
0x17: {  	s16 =	sand.u32 @!p0 $0x7, s11;
	s15 =	sadd.s32 @!p0 s3, s15;
	s14 =	sand.u32 @!p0 $0x20, s14  }
0x18: {  	[tilespmem:s14], [sflag:$0x2] =	stream.linear.gather @!p0 [hbm4b:s15+s16], $0x20, $0x38;
	[tilespmem:$0x80] =	vst v63  }
0x19: {  	p0 =	sge.u32 s31, s7  }
.Ltmp2:
0x1a: {  	_ = 	snop;
	(pc) =	sbr.rel @p0 .LBB2_5-.Ltmp2, $1  }
0x1b: {  	_ =	sdelay $0x3  }
0x1c: {  	_ =	swait.ge [sflag:s6], $0x20;
	s14 =	sshll.u32 s12, $0x5;
	s16 =	simm.s32 $0x0  }
0x1d: {  	p0 =	por $0x1, $0x1;
	[sflag:s6] =	ssyncset.done $0x0;
	s15 =	sand.u32 $0x20, s14  }
0x1e: {  	[sflag:s6] =	ssyncadd.s32 $0xFFFFFFE0;
	(ifvalue) =	ssetifvalue $0x7FFFFFFF;
	s14 =	sor.u32 $0x40, s15  }
.LBB2_3:
0x1f: {  	s17 =	sadd.s32 s16, s15  }
0x20: {  	v0 =	vld.msk [tilespmem:s17+$0x0 ss:$0x1], $0xffff;
	_ =	sdelay $0x4  }
0x21: {  	v1 =	vshrl.u32 v0, $0xB;
	v2 =	vshll.u32 v0, $0x7  }
0x22: {  	vm1 =	veq.s32 v0, $0x80000000;
	v61 =	vand.u32 $0x7, v1;
	v62 =	vand.u32 $0x3FF80, v2  }
0x23: {  	v0 =	vsel vm1, $0xFFFFFFFF, v61;
	v1 =	vsel vm1, $0xFFFFFF80, v62  }
0x24: {  	v63 =	vand.u32 $0xFFFFFC00, v1;
	v3 =	vand.u32 $0xFFFFFC00, v0  }
0x25: {  	v1 =	vand.u32 $0x380, v1;
	v2 =	vadd.s32 v3, v63  }
0x26: {  	v0 =	vand.u32 $0x7F, v0;
	v1 =	vor.u32 v1, v2  }
0x27: {  	p1 =	por p0, p0;
	v0 =	vor.u32 v0, v1  }
.Ltmp3:
0x28: {  	_ = 	snop;
	(pc) =	sbr.rel @p1 .LBB2_3-.Ltmp3, $4  }
0x29: {  	_ = 	snop  }
0x2a: {  	s31 =	sadd.s32 s16, s14  }
0x2b: {  	s16 =	simm.s32 $0x10;
	p0 =	por $0x0, $0x0;
	(ifvalue) =	ssetifvalue $0x7FFFFFFF  }
0x2c: {  	[tilespmem:s31], [sflag:$0x1] =	stream.indirect_vreg.gather [hbm4b:s2+s10], $0x1, v0, vm0, $0x4038;
	[tilespmem:$0x80] =	vst v63  }
.Ltmp4:
0x2d: {  	(pc) =	sbr.rel .LBB2_5-.Ltmp4, $4  }
0x2e: {  	_ =	swait.ge [sflag:s5], $0x20  }
0x2f: {  	s15 =	sshrl.u32 s13, $0x3;
	[sflag:s5] =	ssyncset.done $0x0  }
0x30: {  	s31 =	sand.u32 $0x7, s13;
	s15 =	sadd.s32 s8, s15;
	[sflag:s5] =	ssyncadd.s32 $0xFFFFFFE0  }
0x31: {  	[hbm4b:s15+s31] =	stream.linear.scatter [tilespmem:s14], [sflag:$0x3], $0x20, $0x38;
	[tilespmem:$0x80] =	vst v63  }
.LBB2_6:
0x32: {  	_ =	sfence.sel $0x180000  }
0x33: {  	s2 =	simm.s32 $0x2;
	[bflag:$0x0] =	sbarrier.arrive $0xFFFF  }
0x34: {  	s30 =	simm.s32 $0x3;
	[sflag:s2] =	ssyncpa.u1 $0x1  }
0x35: {  	s31 =	simm.s32 $0x1;
	[sflag:s30] =	ssyncpa.u1 $0x1  }
0x36: {  	[sflag:s31] =	ssyncpa.u1 $0x1  }
0x37: {  	p0 =	sne.s32 s0, $0x0;
	_ =	strace $0x90000047  }
0x38: {  	s0 =	sadd.s32 @!p0 $0x100000, s1;
	[bflag:$0x2] =	sbarrier.arrive $0xFFFF  }
0x39: {  	[sflag:s0] =	ssyncadd.tile.s32 @!p0 $0x1;
	_ =	shalt  }
.Lfunc_end2:
_tile_overlayer_lowered:
.L_overlay_start_2:
0x3a: {  	(tag) =	ssettag $0x2  }
0x3b: {  	s0 =	rddreg [dreg:$0x0];
	s2 =	stileid.u32  }
0x3c: {  	s1 =	rddreg [dreg:$0x1];
	p0 =	sne.s32 s2, $0x0  }
0x3d: {  	s3 =	rddreg [dreg:$0x2];
	[bflag:$0x3] =	sbarrier.arrive $0xFFFF;
	s2 =	simm.s32 @!p0 $0x1C01  }
0x3e: {  	[timem:s3], [sflag:s2] =	dma.local @!p0 [hbm:s0], s1  }
0x3f: {  	s0 =	simm.s32 @!p0 $0x1  }
0x40: {  	_ =	swait.ge @!p0 [sflag:s0], s1  }
0x41: {  	s1 =	ssub.s32 @!p0 $0x0, s1;
	[sflag:s0] =	ssyncset.done @!p0 $0x0  }
0x42: {  	[sflag:s0] =	ssyncadd.s32 @!p0 s1  }
0x43: {  	[bflag:$0x3] =	sbarrier.arrive $0xFFFF  }
0x44: {  	_ =	shalt  }

// kernel: kernel.6.cloned.1.call-start
scs
__scs_entry_jumppad:
0x0: {  	(pc) =	sbr.rel $0x88, $3  }
0x1: {  	(tag) =	ssettag $0x0;
	lr =	simm.s32 $0x1  }
0x2: {  	[smem:$0x3F9A] =	sst lr;
	_ =	strace $0xD0000000  }
0x3: {  	_ = 	snop  }
0x4: {  	_ = 	snop  }
0x5: {  	_ = 	snop  }
0x6: {  	_ = 	snop  }
0x7: {  	_ = 	snop  }
__scs_overlays_trampoline_lowered:
0x8: {  	[smem:$0x3FA9] =	sst s0  }
0x9: {  	[smem:$0x3FAA] =	sst s1  }
0xa: {  	[smem:$0x3FAB] =	sst s2  }
0xb: {  	[smem:$0x3FAC] =	sst s3  }
0xc: {  	[smem:$0x3FAD] =	sst s4  }
0xd: {  	[smem:$0x3FAE] =	sst s5  }
0xe: {  	[smem:$0x3FAF] =	sst s6  }
0xf: {  	[smem:$0x3FB0] =	sst s7  }
0x10: {  	[smem:$0x3FB1] =	sst s8  }
0x11: {  	[smem:$0x3FB2] =	sst s9;
	s0 =	simm.s32 @!p0 $0x0  }
0x12: {  	s1 =	sld [smem:$0x3F98];
	s0 =	simm.s32 @p0 $0x1  }
0x13: {  	[smem:$0x3FB3] =	sst s0;
	s0 =	simm.s32 @!p1 $0x0  }
0x14: {  	s2 =	sld [smem:$0x3F97];
	s0 =	simm.s32 @p1 $0x1  }
0x15: {  	[smem:$0x3FB4] =	sst s0;
	s0 =	simm.s32 @!p2 $0x0  }
0x16: {  	s3 =	sld [smem:$0x3FDB];
	s0 =	simm.s32 @p2 $0x1  }
0x17: {  	s4 =	simm.s32 $0x1BF5;
	[smem:$0x3FB6] =	sst s0  }
0x18: {  	s0 =	sld [smem:$0x3F99];
	_ =	swait.ge [sflag:s4], $0x0  }
0x19: {  	s7 =	sld [smem:$0x3F9A]  }
0x1a: {  	s8 =	sadd.s32 $0xFFFFE003, lr  }
0x1b: {  	s9 =	sadd.s32 $0xFFFFFEF7, lr;
	s5 =	simm.s32 $0xFFFFFFFF;
	p2 =	slt.u32 s8, $0xFFFFF086  }
0x1c: {  	p1 =	slt.u32 s9, $0xF7A;
	s5 =	simm.s32 @!p2 $0x0  }
0x1d: {  	s5 =	simm.s32 @p1 $0x1;
	p0 =	seq.s32 s7, s2  }
0x1e: {  	s7 =	smul.u32 @!p0 $0xF7A, s2;
	p2 =	seq.s32 @!p0 s5, $0x0  }
0x1f: {  	s9 =	smul.u32 $0xF7A, s1;
	s8 =	simm.s32 @!p0 $0x1BF5;
	p2 =	por !p2, p0  }
0x20: {  	[sflag:s8] =	ssyncset.s32 @!p0 $0xFFFFF086;
	s6 =	sadd.s32 @!p0 s3, s7;
	s7 =	simm.s32 @!p0 $0x108  }
0x21: {  	s3 =	sadd.s32 s3, s9;
	s6 =	sadd.s32 @!p0 $0x88, s6;
	s7 =	simm.s32 @p2 $0x1082  }
0x22: {  	[simem:s7], [sflag:s8] =	dma.local @!p0 [hbm:s6], $0xF7A  }
0x23: {  	s9 =	sor.u32 $0xD0000000, s2;
	s6 =	simm.s32 $0x108;
	_ =	swait.ge @!p0 [sflag:s8], $0x0  }
0x24: {  	s3 =	sadd.s32 $0x88, s3;
	s6 =	simm.s32 @!p1 $0x1082;
	[sflag:s4] =	ssyncset.s32 $0xFFFFF086  }
0x25: {  	[simem:s6], [sflag:s4] =	dma.local [hbm:s3], $0xF7A  }
0x26: {  	[smem:$0x3F9A] =	sst s1;
	(tag) =	ssettag s2;
	_ =	strace s9  }
0x27: {  	s1 =	sld [smem:$0x3FAA]  }
0x28: {  	s2 =	sld [smem:$0x3FAB]  }
0x29: {  	s4 =	sld [smem:$0x3FAD]  }
0x2a: {  	p0 =	seq.s32 s5, $0x0;
	s5 =	sld [smem:$0x3FAE]  }
0x2b: {  	s6 =	sld [smem:$0x3FAF]  }
0x2c: {  	s7 =	sld [smem:$0x3FB0]  }
0x2d: {  	s3 =	simm.s32 $0x108;
	s8 =	sld [smem:$0x3FB1]  }
0x2e: {  	s3 =	simm.s32 @!p0 $0x1082;
	s9 =	sld [smem:$0x3FB2]  }
0x2f: {  	lr =	sadd.s32 s0, s3;
	s0 =	sld [smem:$0x3FA9]  }
0x30: {  	s3 =	sld [smem:$0x3FAC]  }
0x31: {  	[smem:$0x3FB5] =	sst s10  }
0x32: {  	s10 =	sld [smem:$0x3FB3];
	_ =	sdelay $0x3  }
0x33: {  	p0 =	seq.s32 s10, $0x1;
	s10 =	sld [smem:$0x3FB5];
	_ =	sdelay $0x3  }
0x34: {  	[smem:$0x3FB5] =	sst s10  }
0x35: {  	s10 =	sld [smem:$0x3FB4];
	_ =	sdelay $0x3  }
0x36: {  	p1 =	seq.s32 s10, $0x1;
	s10 =	sld [smem:$0x3FB5];
	_ =	sdelay $0x3  }
0x37: {  	[smem:$0x3FB5] =	sst s10  }
0x38: {  	s10 =	sld [smem:$0x3FB6]  }
0x39: {  	_ = 	snop;
	(pc) =	sbr.ind lr, $3  }
0x3a: {  	_ = 	snop  }
0x3b: {  	_ = 	snop  }
0x3c: {  	p2 =	seq.s32 s10, $0x1;
	s10 =	sld [smem:$0x3FB5]  }
0x3d: {  	_ =	shalt  }
0x3e: {  	_ =	shalt  }
0x3f: {  	_ =	shalt  }
0x40: {  	_ =	shalt  }
0x41: {  	_ =	shalt  }
0x42: {  	_ =	shalt  }
0x43: {  	_ =	shalt  }
0x44: {  	_ =	shalt  }
0x45: {  	_ =	shalt  }
0x46: {  	_ =	shalt  }
0x47: {  	_ =	shalt  }
0x48: {  	_ =	shalt  }
0x49: {  	_ =	shalt  }
0x4a: {  	_ =	shalt  }
0x4b: {  	_ =	shalt  }
0x4c: {  	_ =	shalt  }
0x4d: {  	_ =	shalt  }
0x4e: {  	_ =	shalt  }
0x4f: {  	_ =	shalt  }
0x50: {  	_ =	shalt  }
0x51: {  	_ =	shalt  }
0x52: {  	_ =	shalt  }
0x53: {  	_ =	shalt  }
0x54: {  	_ =	shalt  }
0x55: {  	_ =	shalt  }
0x56: {  	_ =	shalt  }
0x57: {  	_ =	shalt  }
0x58: {  	_ =	shalt  }
0x59: {  	_ =	shalt  }
0x5a: {  	_ =	shalt  }
0x5b: {  	_ =	shalt  }
0x5c: {  	_ =	shalt  }
0x5d: {  	_ =	shalt  }
0x5e: {  	_ =	shalt  }
0x5f: {  	_ =	shalt  }
0x60: {  	_ =	shalt  }
0x61: {  	_ =	shalt  }
0x62: {  	_ =	shalt  }
0x63: {  	_ =	shalt  }
0x64: {  	_ =	shalt  }
0x65: {  	_ =	shalt  }
0x66: {  	_ =	shalt  }
0x67: {  	_ =	shalt  }
0x68: {  	_ =	shalt  }
0x69: {  	_ =	shalt  }
0x6a: {  	_ =	shalt  }
0x6b: {  	_ =	shalt  }
0x6c: {  	_ =	shalt  }
0x6d: {  	_ =	shalt  }
0x6e: {  	_ =	shalt  }
0x6f: {  	_ =	shalt  }
0x70: {  	_ =	shalt  }
0x71: {  	_ =	shalt  }
0x72: {  	_ =	shalt  }
0x73: {  	_ =	shalt  }
0x74: {  	_ =	shalt  }
0x75: {  	_ =	shalt  }
0x76: {  	_ =	shalt  }
0x77: {  	_ =	shalt  }
0x78: {  	_ =	shalt  }
0x79: {  	_ =	shalt  }
0x7a: {  	_ =	shalt  }
0x7b: {  	_ =	shalt  }
0x7c: {  	_ =	shalt  }
0x7d: {  	_ =	shalt  }
0x7e: {  	_ =	shalt  }
0x7f: {  	_ =	shalt  }
0x80: {  	_ =	shalt  }
0x81: {  	_ =	shalt  }
0x82: {  	_ =	shalt  }
0x83: {  	_ =	shalt  }
0x84: {  	_ =	shalt  }
0x85: {  	_ =	shalt  }
0x86: {  	_ =	shalt  }
0x87: {  	_ =	shalt  }
.Lfunc_end0:
.L_simem_size_0:
called_computation.1_lowered:
.L_overlay_start_0:
0x88: {  	s2 =	sld [smem:$0x3FD9]  }
0x89: {  	s3 =	sld [smem:$0x3FFE];
	_ =	sdelay $0x1  }
0x8a: {  	s1 =	srdreg.scid  }
0x8b: {  	s0 =	sand.u32 $0x1, s1  }
0x8c: {  	s17 =	sshll.u32 s0, $0xA;
	s2 =	sadd.s32 s3, s2  }
0x8d: {  	s2 =	sadd.s32 s2, s17  }
0x8e: {  	[smem:$0x3FC1] =	sst s2  }
0x8f: {  	_ = 	snop  }
0x90: {  	s2 =	sld [smem:$0x3FC9];
	(tm) =	ssettm $0x1  }
0x91: {  	s18 =	sld [smem:$0x3FFB];
	_ =	sdelay $0x3  }
0x92: {  	_ =	strace s18  }
0x93: {  	s3 =	sld [smem:$0x3FFC];
	_ =	sdelay $0x3  }
0x94: {  	_ =	strace s3  }
0x95: {  	s3 =	sld [smem:$0x3FFD];
	_ =	sdelay $0x3  }
0x96: {  	_ =	strace s3  }
0x97: {  	_ =	strace $0x8FFFFFFF  }
0x98: {  	s19 =	sld [smem:$0x3FDB];
	_ =	sdelay $0x1  }
0x99: {  	s4 =	simm.s32 $_scs_section_size  }
0x9a: {  	s5 =	simm.s32 $_size__tile_overlayer_lowered;
	s6 =	simm.s32 $_tile_overlayer_lowered  }
0x9b: {  	s22 =	simm.s32 $0x1BFF;
	s21 =	sshll.u32 s6, $0x1;
	s3 =	sadd.s32 s4, s19  }
0x9c: {  	s7 =	simm.s32 $0x0;
	s20 =	sshll.u32 s5, $0x1;
	s5 =	sadd.s32 s21, s3  }
0x9d: {  	[timem:s7], [sflag:s22] =	dma.local [hbm:s5], s20  }
0x9e: {  	_ =	swait.ge [sflag:s22], s20  }
0x9f: {  	s4 =	ssub.s32 $0x0, s20;
	[sflag:s22] =	ssyncset.done $0x0  }
0xa0: {  	[sflag:s22] =	ssyncadd.s32 s4;
	_ =	sdelay $0x1  }
0xa1: {  	s23 =	simm.s32 $0x1B8B  }
0xa2: {  	_ =	swait.ge [sflag:s23], $0x1  }
0xa3: {  	[sflag:s23] =	ssyncset.done $0x0  }
0xa4: {  	s25 =	simm.s32 $0x1B8E;
	s24 =	sld [smem:$0x3FFE];
	[sflag:s23] =	ssyncadd.s32 $0xFFFFFFFF  }
0xa5: {  	s26 =	simm.s32 $execute0_lowered;
	[smem:$0x3FD2] =	sst s25  }
0xa6: {  	s5 =	sshll.u32 s26, $0x1;
	_ =	strace $0x80000049;
	[dreg:$0x1] =	wrdreg $0xFFFFFFFF  }
0xa7: {  	s28 =	simm.s32 $_size_execute0_lowered;
	s3 =	sadd.s32 s3, s5;
	[dreg:$0x0] =	wrdreg $0x0  }
0xa8: {  	s5 =	sshll.u32 s28, $0x1;
	[dreg:$0x2] =	wrdreg s3  }
0xa9: {  	[dreg:$0x3] =	wrdreg s5  }
0xaa: {  	[dreg:$0x4] =	wrdreg $0xC0  }
0xab: {  	_ =	task [dreg:s7], $0x5FFFF  }
0xac: {  	[dreg:$0x1] =	wrdreg $0xFFFFFFFF  }
0xad: {  	[dreg:$0x0] =	wrdreg $0x60  }
0xae: {  	[dreg:$0x2] =	wrdreg s2  }
0xaf: {  	[dreg:$0x3] =	wrdreg s24  }
0xb0: {  	[dreg:$0x4] =	wrdreg $0x9  }
0xb1: {  	_ =	task.clear_ibuf [dreg:s7], $0x5FFFF;
	_ =	strace $0x90000049  }
0xb2: {  	s29 =	simm.s32 $0x9;
	_ =	strace $0x8000004B  }
0xb3: {  	_ =	swait.ge [sflag:s29], $0x1  }
0xb4: {  	[sflag:s29] =	ssyncadd.s32 $0xFFFFFFFF  }
0xb5: {  	_ =	strace $0x9000004B  }
0xb6: {  	_ =	sfence  }
0xb7: {  	s30 =	sld [smem:$0x0];
	_ =	sdelay $0x2  }
0xb8: {  	s31 =	sshll.u32 s1, $0xD;
	s1 =	sshrl.u32 s1, $0x2  }
0xb9: {  	s3 =	sand.u32 $0x4000, s31;
	s1 =	sadd.s32 s1, s30  }
0xba: {  	s0 =	sor.u32 s3, s0;
	s1 =	sshll.u32 s1, $0x11  }
0xbb: {  	s0 =	sor.u32 s1, s0  }
0xbc: {  	s0 =	sadd.s32 $0x8F2B, s0  }
0xbd: {  	[sflag:s0] =	ssyncadd.remote.s32 $0x1  }
0xbe: {  	_ =	sfence.sel $0xFFFF  }
0xbf: {  	[dreg:$0x0] =	wrdreg $0xFFFFFFFF;
	(pc) =	sbr.abs _section_cstart, $3  }
0xc0: {  	[dreg:$0x1] =	wrdreg $0xFFFFFFFF  }
0xc1: {  	_ =	task.clear_ibuf [dreg:s7], $0x2FFFF;
	_ =	strace $0x9FFFFFFF  }
0xc2: {  	(tm) =	ssettm $0x7FFFFFFF  }
0xc3: {  	_ =	shalt  }
tec
execute0_lowered:
.L_overlay_start_1:
0x0: {  	(tag) =	ssettag $0x1  }
0x1: {  	s0 =	rddreg [dreg:$0x0];
	s2 =	srdreg.scid  }
0x2: {  	s6 =	rddreg [dreg:$0x1];
	s4 =	sand.u32 $0x1, s2;
	s2 =	simm.s32 $0x0  }
0x3: {  	s13 =	simm.s32 $0x900;
	[smem:$0x7FF] =	sst s2  }
0x4: {  	s14 =	simm.s32 $0x1100;
	_ =	strace $0x8000004A;
	[dreg:$0x7] =	wrdreg s13  }
0x5: {  	s1 =	stileid.u32;
	s15 =	simm.s32 $0x1900;
	[dreg:$0x8] =	wrdreg s14  }
0x6: {  	s16 =	simm.s32 $0x2100;
	s17 =	simm.s32 $0x2900;
	[dreg:$0x9] =	wrdreg s15  }
0x7: {  	s19 =	simm.s32 $0x3100;
	s21 =	simm.s32 $0x3900;
	[dreg:$0xa] =	wrdreg s16  }
0x8: {  	s22 =	simm.s32 $0x4100;
	s23 =	simm.s32 $0x4900;
	[dreg:$0xb] =	wrdreg s17  }
0x9: {  	s24 =	simm.s32 $0x5100;
	s25 =	simm.s32 $0x5900;
	[dreg:$0xc] =	wrdreg s19  }
0xa: {  	s8 =	simm.s32 $0x3;
	s26 =	simm.s32 $0x6100;
	[dreg:$0xd] =	wrdreg s21  }
0xb: {  	s9 =	simm.s32 $0x100;
	s28 =	simm.s32 $0xE900;
	[dreg:$0xe] =	wrdreg s22  }
0xc: {  	s29 =	simm.s32 $0xF100;
	s30 =	simm.s32 $0xF900;
	[dreg:$0xf] =	wrdreg s23  }
0xd: {  	s31 =	simm.s32 $0x1;
	s3 =	sshll.u32 s1, $0x7;
	[dreg:$0x10] =	wrdreg s24  }
0xe: {  	s5 =	sshll.u32 s4, $0x6;
	s4 =	ssub.s32 $0x2, s4;
	[dreg:$0x11] =	wrdreg s25  }
0xf: {  	s3 =	sor.u32 s5, s3;
	s18 =	sshrl.u32 s4, $0x1;
	[dreg:$0x12] =	wrdreg s26  }
0x10: {  	s13 =	simm.s32 $0x80;
	s14 =	simm.s32 $0x8100;
	s15 =	simm.s32 $0x8900  }
0x11: {  	s16 =	simm.s32 $0x9100;
	s17 =	simm.s32 $0x9900;
	s19 =	simm.s32 $0xA900  }
0x12: {  	s21 =	simm.s32 $0xB900;
	s22 =	simm.s32 $0xC100;
	s23 =	simm.s32 $0xC900  }
0x13: {  	s24 =	simm.s32 $0xD100;
	s25 =	simm.s32 $0xD900;
	s26 =	simm.s32 $0xE100  }
0x14: {  	s5 =	sshrl.u32 s3, $0x3;
	s7 =	sshll.u32 s3, $0x7;
	s3 =	sor.u32 $0x20, s3  }
0x15: {  	s20 =	ssub.s32 s4, s18;
	s4 =	sadd.s32 $0x300, s6;
	s18 =	simm.s32 $0xA100  }
0x16: {  	s5 =	sadd.s32 s6, s5;
	s10 =	sadd.s32 s0, s7;
	s11 =	sshrl.u32 s3, $0x3  }
0x17: {  	s3 =	sshll.u32 s3, $0x7;
	s7 =	smax.u32 s20, $0x1;
	[dreg:$0x3] =	wrdreg s5  }
0x18: {  	s20 =	simm.s32 $0xB100;
	[dreg:$0x4] =	wrdreg s10;
	s12 =	sadd.s32 s6, s11  }
0x19: {  	v2 =	vlaneseq.u32;
	s0 =	sadd.s32 s0, s3;
	s3 =	sadd.s32 $0x200, s6;
	s5 =	sadd.s32 $0x400, s6  }
0x1a: {  	vm0 =	vmmov $0xffff;
	v1 =	vshrl.u32 v2, $0x3;
	s6 =	sadd.s32 $0x500, s6;
	s11 =	simm.s32 $0x7100;
	[dreg:$0x5] =	wrdreg s12  }
0x1b: {  	v0 =	vand.u32 $0x7, v2;
	v2 =	vor.u32 $0x8, v2;
	v1 =	vmul.u32 $0x8, v1;
	[dreg:$0x6] =	wrdreg s0;
	s12 =	simm.s32 $0x7900;
	s0 =	simm.s32 $0x2  }
.LBB2_1:
0x1c: {  	s1 =	rddreg [dreg:$0x3]  }
0x1d: {  	[tilespmem:s2], [sflag:$0x3] =	stream.linear.gather [hbm4b:s1+s2], $0x20, $0x38;
	[tilespmem:$0x10100] =	vst v63  }
0x1e: {  	_ =	swait.ge [sflag:s8], $0x20  }
0x1f: {  	[sflag:s8] =	ssyncset.done $0x0  }
0x20: {  	s10 =	rddreg [dreg:$0x4];
	[sflag:s8] =	ssyncadd.s32 $0xFFFFFFE0  }
0x21: {  	[tilespmem:s9], [sflag:$0x3] =	stream.linear.gather [hbm4b:s10+s2], $0x8000, $0x38;
	[tilespmem:$0x10100] =	vst v63  }
0x22: {  	_ =	swait.ge [sflag:s8], $0x8000  }
0x23: {  	[sflag:s8] =	ssyncset.done $0x0  }
0x24: {  	[sflag:s8] =	ssyncadd.s32 $0xFFFF8000  }
0x25: {  	v3 =	vld [tilespmem:$0x0];
	_ =	sdelay $0x4  }
0x26: {  	v4 =	vshll.u32 v3, $0x3  }
0x27: {  	v3 =	vand.u32 $0x7, v3;
	v4 =	vand.u32 $0xFFFFFFC0, v4  }
0x28: {  	v3 =	vor.u32 v3, v4  }
0x29: {  	v4 =	vperm.xlane v3, v0;
	_ =	sdelay $0x1  }
0x2a: {  	v4 =	vadd.s32 v1, v4;
	_ =	sdelay $0x4  }
0x2b: {  	[hbm4b:s3+s2] =	stream.indirect_vreg.scatter [tilespmem:s9], [sflag:$0x1], $0x80, v4, vm0, $0xb8;
	[tilespmem:$0x10100] =	vst v63  }
0x2c: {  	s1 =	rddreg [dreg:$0x7];
	v3 =	vperm.xlane v3, v2  }
0x2d: {  	[hbm4b:s4+s2] =	stream.indirect_vreg.scatter [tilespmem:s1], [sflag:$0x1], $0x80, v4, vm0, $0xb8;
	[tilespmem:$0x10100] =	vst v63  }
0x2e: {  	s10 =	rddreg [dreg:$0x8];
	v3 =	vadd.s32 v1, v3  }
0x2f: {  	[hbm4b:s5+s2] =	stream.indirect_vreg.scatter [tilespmem:s10], [sflag:$0x1], $0x80, v4, vm0, $0xb8;
	[tilespmem:$0x10100] =	vst v63  }
0x30: {  	s1 =	rddreg [dreg:$0x9]  }
0x31: {  	[hbm4b:s6+s2] =	stream.indirect_vreg.scatter [tilespmem:s1], [sflag:$0x1], $0x80, v4, vm0, $0xb8;
	[tilespmem:$0x10100] =	vst v63  }
0x32: {  	s10 =	rddreg [dreg:$0xa]  }
0x33: {  	[hbm4b:s3+s2] =	stream.indirect_vreg.scatter [tilespmem:s10], [sflag:$0x1], $0x80, v3, vm0, $0xb8;
	[tilespmem:$0x10100] =	vst v63  }
0x34: {  	s1 =	rddreg [dreg:$0xb]  }
0x35: {  	[hbm4b:s4+s2] =	stream.indirect_vreg.scatter [tilespmem:s1], [sflag:$0x1], $0x80, v3, vm0, $0xb8;
	[tilespmem:$0x10100] =	vst v63  }
0x36: {  	s10 =	rddreg [dreg:$0xc]  }
0x37: {  	[hbm4b:s5+s2] =	stream.indirect_vreg.scatter [tilespmem:s10], [sflag:$0x1], $0x80, v3, vm0, $0xb8;
	[tilespmem:$0x10100] =	vst v63  }
0x38: {  	s1 =	rddreg [dreg:$0xd]  }
0x39: {  	[hbm4b:s6+s2] =	stream.indirect_vreg.scatter [tilespmem:s1], [sflag:$0x1], $0x80, v3, vm0, $0xb8;
	[tilespmem:$0x10100] =	vst v63  }
0x3a: {  	v3 =	vld [tilespmem:$0x10];
	_ =	sdelay $0x4  }
0x3b: {  	v61 =	vshll.u32 v3, $0x3  }
0x3c: {  	v3 =	vand.u32 $0x7, v3;
	v4 =	vand.u32 $0xFFFFFFC0, v61  }
0x3d: {  	v3 =	vor.u32 v3, v4  }
0x3e: {  	v4 =	vperm.xlane v3, v0;
	_ =	sdelay $0x1  }
0x3f: {  	v4 =	vadd.s32 v1, v4;
	_ =	sdelay $0x3  }
0x40: {  	s1 =	rddreg [dreg:$0xe]  }
0x41: {  	[hbm4b:s3+s2] =	stream.indirect_vreg.scatter [tilespmem:s1], [sflag:$0x1], $0x80, v4, vm0, $0xb8;
	[tilespmem:$0x10100] =	vst v63  }
0x42: {  	s10 =	rddreg [dreg:$0xf];
	v3 =	vperm.xlane v3, v2  }
0x43: {  	[hbm4b:s4+s2] =	stream.indirect_vreg.scatter [tilespmem:s10], [sflag:$0x1], $0x80, v4, vm0, $0xb8;
	[tilespmem:$0x10100] =	vst v63  }
0x44: {  	v3 =	vadd.s32 v1, v3;
	s1 =	rddreg [dreg:$0x10]  }
0x45: {  	[hbm4b:s5+s2] =	stream.indirect_vreg.scatter [tilespmem:s1], [sflag:$0x1], $0x80, v4, vm0, $0xb8;
	[tilespmem:$0x10100] =	vst v63  }
0x46: {  	s10 =	rddreg [dreg:$0x11]  }
0x47: {  	[hbm4b:s6+s2] =	stream.indirect_vreg.scatter [tilespmem:s10], [sflag:$0x1], $0x80, v4, vm0, $0xb8;
	[tilespmem:$0x10100] =	vst v63  }
0x48: {  	s1 =	rddreg [dreg:$0x12]  }
0x49: {  	[hbm4b:s3+s2] =	stream.indirect_vreg.scatter [tilespmem:s1], [sflag:$0x1], $0x80, v3, vm0, $0xb8;
	[tilespmem:$0x10100] =	vst v63  }
0x4a: {  	s10 =	simm.s32 $0x6900  }
0x4b: {  	[hbm4b:s4+s2] =	stream.indirect_vreg.scatter [tilespmem:s10], [sflag:$0x1], $0x80, v3, vm0, $0xb8;
	[tilespmem:$0x10100] =	vst v63  }
0x4c: {  	_ = 	snop  }
0x4d: {  	[hbm4b:s5+s2] =	stream.indirect_vreg.scatter [tilespmem:s11], [sflag:$0x1], $0x80, v3, vm0, $0xb8;
	[tilespmem:$0x10100] =	vst v63  }
0x4e: {  	_ = 	snop  }
0x4f: {  	[hbm4b:s6+s2] =	stream.indirect_vreg.scatter [tilespmem:s12], [sflag:$0x1], $0x80, v3, vm0, $0xb8;
	[tilespmem:$0x10100] =	vst v63  }
0x50: {  	s10 =	rddreg [dreg:$0x5]  }
0x51: {  	[tilespmem:s13], [sflag:$0x3] =	stream.linear.gather [hbm4b:s10+s2], $0x20, $0x38;
	[tilespmem:$0x10100] =	vst v63  }
0x52: {  	_ =	swait.ge [sflag:s8], $0x20  }
0x53: {  	[sflag:s8] =	ssyncset.done $0x0  }
0x54: {  	s10 =	rddreg [dreg:$0x6];
	[sflag:s8] =	ssyncadd.s32 $0xFFFFFFE0  }
0x55: {  	[tilespmem:s14], [sflag:$0x3] =	stream.linear.gather [hbm4b:s10+s2], $0x8000, $0x38;
	[tilespmem:$0x10100] =	vst v63  }
0x56: {  	_ =	swait.ge [sflag:s8], $0x8000  }
0x57: {  	[sflag:s8] =	ssyncset.done $0x0  }
0x58: {  	[sflag:s8] =	ssyncadd.s32 $0xFFFF8000  }
0x59: {  	v3 =	vld [tilespmem:$0x80];
	_ =	sdelay $0x4  }
0x5a: {  	v62 =	vshll.u32 v3, $0x3  }
0x5b: {  	v3 =	vand.u32 $0x7, v3;
	v4 =	vand.u32 $0xFFFFFFC0, v62  }
0x5c: {  	v3 =	vor.u32 v3, v4  }
0x5d: {  	v4 =	vperm.xlane v3, v0;
	_ =	sdelay $0x1  }
0x5e: {  	v4 =	vadd.s32 v1, v4;
	_ =	sdelay $0x4  }
0x5f: {  	[hbm4b:s3+s2] =	stream.indirect_vreg.scatter [tilespmem:s14], [sflag:$0x2], $0x80, v4, vm0, $0xb8;
	[tilespmem:$0x10100] =	vst v63  }
0x60: {  	v3 =	vperm.xlane v3, v2  }
0x61: {  	[hbm4b:s4+s2] =	stream.indirect_vreg.scatter [tilespmem:s15], [sflag:$0x2], $0x80, v4, vm0, $0xb8;
	[tilespmem:$0x10100] =	vst v63  }
0x62: {  	v3 =	vadd.s32 v1, v3  }
0x63: {  	[hbm4b:s5+s2] =	stream.indirect_vreg.scatter [tilespmem:s16], [sflag:$0x2], $0x80, v4, vm0, $0xb8;
	[tilespmem:$0x10100] =	vst v63  }
0x64: {  	_ = 	snop  }
0x65: {  	[hbm4b:s6+s2] =	stream.indirect_vreg.scatter [tilespmem:s17], [sflag:$0x2], $0x80, v4, vm0, $0xb8;
	[tilespmem:$0x10100] =	vst v63  }
0x66: {  	_ = 	snop  }
0x67: {  	[hbm4b:s3+s2] =	stream.indirect_vreg.scatter [tilespmem:s18], [sflag:$0x2], $0x80, v3, vm0, $0xb8;
	[tilespmem:$0x10100] =	vst v63  }
0x68: {  	_ = 	snop  }
0x69: {  	[hbm4b:s4+s2] =	stream.indirect_vreg.scatter [tilespmem:s19], [sflag:$0x2], $0x80, v3, vm0, $0xb8;
	[tilespmem:$0x10100] =	vst v63  }
0x6a: {  	_ = 	snop  }
0x6b: {  	[hbm4b:s5+s2] =	stream.indirect_vreg.scatter [tilespmem:s20], [sflag:$0x2], $0x80, v3, vm0, $0xb8;
	[tilespmem:$0x10100] =	vst v63  }
0x6c: {  	_ = 	snop  }
0x6d: {  	[hbm4b:s6+s2] =	stream.indirect_vreg.scatter [tilespmem:s21], [sflag:$0x2], $0x80, v3, vm0, $0xb8;
	[tilespmem:$0x10100] =	vst v63  }
0x6e: {  	v3 =	vld [tilespmem:$0x90];
	_ =	sdelay $0x4  }
0x6f: {  	v63 =	vshll.u32 v3, $0x3  }
0x70: {  	v3 =	vand.u32 $0x7, v3;
	v4 =	vand.u32 $0xFFFFFFC0, v63  }
0x71: {  	v3 =	vor.u32 v3, v4  }
0x72: {  	v4 =	vperm.xlane v3, v0;
	_ =	sdelay $0x1  }
0x73: {  	v4 =	vadd.s32 v1, v4;
	_ =	sdelay $0x4  }
0x74: {  	[hbm4b:s3+s2] =	stream.indirect_vreg.scatter [tilespmem:s22], [sflag:$0x2], $0x80, v4, vm0, $0xb8;
	[tilespmem:$0x10100] =	vst v63  }
0x75: {  	v3 =	vperm.xlane v3, v2  }
0x76: {  	[hbm4b:s4+s2] =	stream.indirect_vreg.scatter [tilespmem:s23], [sflag:$0x2], $0x80, v4, vm0, $0xb8;
	[tilespmem:$0x10100] =	vst v63  }
0x77: {  	v3 =	vadd.s32 v1, v3  }
0x78: {  	[hbm4b:s5+s2] =	stream.indirect_vreg.scatter [tilespmem:s24], [sflag:$0x2], $0x80, v4, vm0, $0xb8;
	[tilespmem:$0x10100] =	vst v63  }
0x79: {  	_ = 	snop  }
0x7a: {  	[hbm4b:s6+s2] =	stream.indirect_vreg.scatter [tilespmem:s25], [sflag:$0x2], $0x80, v4, vm0, $0xb8;
	[tilespmem:$0x10100] =	vst v63  }
0x7b: {  	_ = 	snop  }
0x7c: {  	[hbm4b:s3+s2] =	stream.indirect_vreg.scatter [tilespmem:s26], [sflag:$0x2], $0x80, v3, vm0, $0xb8;
	[tilespmem:$0x10100] =	vst v63  }
0x7d: {  	_ = 	snop  }
0x7e: {  	[hbm4b:s4+s2] =	stream.indirect_vreg.scatter [tilespmem:s28], [sflag:$0x2], $0x80, v3, vm0, $0xb8;
	[tilespmem:$0x10100] =	vst v63  }
0x7f: {  	_ = 	snop  }
0x80: {  	[hbm4b:s5+s2] =	stream.indirect_vreg.scatter [tilespmem:s29], [sflag:$0x2], $0x80, v3, vm0, $0xb8;
	[tilespmem:$0x10100] =	vst v63  }
0x81: {  	_ = 	snop  }
0x82: {  	[hbm4b:s6+s2] =	stream.indirect_vreg.scatter [tilespmem:s30], [sflag:$0x2], $0x80, v3, vm0, $0xb8;
	[tilespmem:$0x10100] =	vst v63  }
0x83: {  	p0 =	sne.s32 s7, $0x1;
	_ =	swait.ge [sflag:s31], $0x8000  }
.Ltmp0:
0x84: {  	[sflag:s31] =	ssyncset.done $0x0;
	(pc) =	sbr.rel @p0 .LBB2_1-.Ltmp0, $4  }
0x85: {  	[sflag:s31] =	ssyncadd.s32 $0xFFFF8000  }
0x86: {  	_ =	swait.ge [sflag:s0], $0x8000  }
0x87: {  	[sflag:s0] =	ssyncset.done $0x0  }
0x88: {  	s7 =	sadd.s32 $0xFFFFFFFF, s7;
	[sflag:s0] =	ssyncadd.s32 $0xFFFF8000  }
0x89: {  	_ =	sfence.sel $0x180000  }
0x8a: {  	[bflag:$0x0] =	sbarrier.arrive $0xFFFF  }
0x8b: {  	_ =	strace $0x9000004A  }
0x8c: {  	s0 =	stileid.u32;
	[bflag:$0x2] =	sbarrier.arrive $0xFFFF  }
0x8d: {  	p0 =	sne.s32 s0, $0x0;
	s0 =	rddreg [dreg:$0x2]  }
0x8e: {  	s0 =	sadd.s32 @!p0 $0x100000, s0  }
0x8f: {  	[sflag:s0] =	ssyncadd.tile.s32 @!p0 $0x1;
	_ =	shalt  }
.Lfunc_end2:
_tile_overlayer_lowered:
.L_overlay_start_2:
0x90: {  	(tag) =	ssettag $0x2  }
0x91: {  	s0 =	rddreg [dreg:$0x0];
	s2 =	stileid.u32  }
0x92: {  	s1 =	rddreg [dreg:$0x1];
	p0 =	sne.s32 s2, $0x0  }
0x93: {  	s3 =	rddreg [dreg:$0x2];
	[bflag:$0x3] =	sbarrier.arrive $0xFFFF;
	s2 =	simm.s32 @!p0 $0x1C03  }
0x94: {  	[timem:s3], [sflag:s2] =	dma.local @!p0 [hbm:s0], s1  }
0x95: {  	s0 =	simm.s32 @!p0 $0x3  }
0x96: {  	_ =	swait.ge @!p0 [sflag:s0], s1  }
0x97: {  	s1 =	ssub.s32 @!p0 $0x0, s1;
	[sflag:s0] =	ssyncset.done @!p0 $0x0  }
0x98: {  	[sflag:s0] =	ssyncadd.s32 @!p0 s1  }
0x99: {  	[bflag:$0x3] =	sbarrier.arrive $0xFFFF  }
0x9a: {  	_ =	shalt  }

// kernel: kernel.9.cloned.1.call-start
scs
__scs_entry_jumppad:
0x0: {  	(pc) =	sbr.rel $0x88, $3  }
0x1: {  	(tag) =	ssettag $0x0;
	lr =	simm.s32 $0x1  }
0x2: {  	[smem:$0x3F9A] =	sst lr;
	_ =	strace $0xD0000000  }
0x3: {  	_ = 	snop  }
0x4: {  	_ = 	snop  }
0x5: {  	_ = 	snop  }
0x6: {  	_ = 	snop  }
0x7: {  	_ = 	snop  }
__scs_overlays_trampoline_lowered:
0x8: {  	[smem:$0x3FA9] =	sst s0  }
0x9: {  	[smem:$0x3FAA] =	sst s1  }
0xa: {  	[smem:$0x3FAB] =	sst s2  }
0xb: {  	[smem:$0x3FAC] =	sst s3  }
0xc: {  	[smem:$0x3FAD] =	sst s4  }
0xd: {  	[smem:$0x3FAE] =	sst s5  }
0xe: {  	[smem:$0x3FAF] =	sst s6  }
0xf: {  	[smem:$0x3FB0] =	sst s7  }
0x10: {  	[smem:$0x3FB1] =	sst s8  }
0x11: {  	[smem:$0x3FB2] =	sst s9;
	s0 =	simm.s32 @!p0 $0x0  }
0x12: {  	s1 =	sld [smem:$0x3F98];
	s0 =	simm.s32 @p0 $0x1  }
0x13: {  	[smem:$0x3FB3] =	sst s0;
	s0 =	simm.s32 @!p1 $0x0  }
0x14: {  	s2 =	sld [smem:$0x3F97];
	s0 =	simm.s32 @p1 $0x1  }
0x15: {  	[smem:$0x3FB4] =	sst s0;
	s0 =	simm.s32 @!p2 $0x0  }
0x16: {  	s3 =	sld [smem:$0x3FDB];
	s0 =	simm.s32 @p2 $0x1  }
0x17: {  	s4 =	simm.s32 $0x1BF5;
	[smem:$0x3FB6] =	sst s0  }
0x18: {  	s0 =	sld [smem:$0x3F99];
	_ =	swait.ge [sflag:s4], $0x0  }
0x19: {  	s7 =	sld [smem:$0x3F9A]  }
0x1a: {  	s8 =	sadd.s32 $0xFFFFE003, lr  }
0x1b: {  	s9 =	sadd.s32 $0xFFFFFEF7, lr;
	s5 =	simm.s32 $0xFFFFFFFF;
	p2 =	slt.u32 s8, $0xFFFFF086  }
0x1c: {  	p1 =	slt.u32 s9, $0xF7A;
	s5 =	simm.s32 @!p2 $0x0  }
0x1d: {  	s5 =	simm.s32 @p1 $0x1;
	p0 =	seq.s32 s7, s2  }
0x1e: {  	s7 =	smul.u32 @!p0 $0xF7A, s2;
	p2 =	seq.s32 @!p0 s5, $0x0  }
0x1f: {  	s9 =	smul.u32 $0xF7A, s1;
	s8 =	simm.s32 @!p0 $0x1BF5;
	p2 =	por !p2, p0  }
0x20: {  	[sflag:s8] =	ssyncset.s32 @!p0 $0xFFFFF086;
	s6 =	sadd.s32 @!p0 s3, s7;
	s7 =	simm.s32 @!p0 $0x108  }
0x21: {  	s3 =	sadd.s32 s3, s9;
	s6 =	sadd.s32 @!p0 $0x88, s6;
	s7 =	simm.s32 @p2 $0x1082  }
0x22: {  	[simem:s7], [sflag:s8] =	dma.local @!p0 [hbm:s6], $0xF7A  }
0x23: {  	s9 =	sor.u32 $0xD0000000, s2;
	s6 =	simm.s32 $0x108;
	_ =	swait.ge @!p0 [sflag:s8], $0x0  }
0x24: {  	s3 =	sadd.s32 $0x88, s3;
	s6 =	simm.s32 @!p1 $0x1082;
	[sflag:s4] =	ssyncset.s32 $0xFFFFF086  }
0x25: {  	[simem:s6], [sflag:s4] =	dma.local [hbm:s3], $0xF7A  }
0x26: {  	[smem:$0x3F9A] =	sst s1;
	(tag) =	ssettag s2;
	_ =	strace s9  }
0x27: {  	s1 =	sld [smem:$0x3FAA]  }
0x28: {  	s2 =	sld [smem:$0x3FAB]  }
0x29: {  	s4 =	sld [smem:$0x3FAD]  }
0x2a: {  	p0 =	seq.s32 s5, $0x0;
	s5 =	sld [smem:$0x3FAE]  }
0x2b: {  	s6 =	sld [smem:$0x3FAF]  }
0x2c: {  	s7 =	sld [smem:$0x3FB0]  }
0x2d: {  	s3 =	simm.s32 $0x108;
	s8 =	sld [smem:$0x3FB1]  }
0x2e: {  	s3 =	simm.s32 @!p0 $0x1082;
	s9 =	sld [smem:$0x3FB2]  }
0x2f: {  	lr =	sadd.s32 s0, s3;
	s0 =	sld [smem:$0x3FA9]  }
0x30: {  	s3 =	sld [smem:$0x3FAC]  }
0x31: {  	[smem:$0x3FB5] =	sst s10  }
0x32: {  	s10 =	sld [smem:$0x3FB3];
	_ =	sdelay $0x3  }
0x33: {  	p0 =	seq.s32 s10, $0x1;
	s10 =	sld [smem:$0x3FB5];
	_ =	sdelay $0x3  }
0x34: {  	[smem:$0x3FB5] =	sst s10  }
0x35: {  	s10 =	sld [smem:$0x3FB4];
	_ =	sdelay $0x3  }
0x36: {  	p1 =	seq.s32 s10, $0x1;
	s10 =	sld [smem:$0x3FB5];
	_ =	sdelay $0x3  }
0x37: {  	[smem:$0x3FB5] =	sst s10  }
0x38: {  	s10 =	sld [smem:$0x3FB6]  }
0x39: {  	_ = 	snop;
	(pc) =	sbr.ind lr, $3  }
0x3a: {  	_ = 	snop  }
0x3b: {  	_ = 	snop  }
0x3c: {  	p2 =	seq.s32 s10, $0x1;
	s10 =	sld [smem:$0x3FB5]  }
0x3d: {  	_ =	shalt  }
0x3e: {  	_ =	shalt  }
0x3f: {  	_ =	shalt  }
0x40: {  	_ =	shalt  }
0x41: {  	_ =	shalt  }
0x42: {  	_ =	shalt  }
0x43: {  	_ =	shalt  }
0x44: {  	_ =	shalt  }
0x45: {  	_ =	shalt  }
0x46: {  	_ =	shalt  }
0x47: {  	_ =	shalt  }
0x48: {  	_ =	shalt  }
0x49: {  	_ =	shalt  }
0x4a: {  	_ =	shalt  }
0x4b: {  	_ =	shalt  }
0x4c: {  	_ =	shalt  }
0x4d: {  	_ =	shalt  }
0x4e: {  	_ =	shalt  }
0x4f: {  	_ =	shalt  }
0x50: {  	_ =	shalt  }
0x51: {  	_ =	shalt  }
0x52: {  	_ =	shalt  }
0x53: {  	_ =	shalt  }
0x54: {  	_ =	shalt  }
0x55: {  	_ =	shalt  }
0x56: {  	_ =	shalt  }
0x57: {  	_ =	shalt  }
0x58: {  	_ =	shalt  }
0x59: {  	_ =	shalt  }
0x5a: {  	_ =	shalt  }
0x5b: {  	_ =	shalt  }
0x5c: {  	_ =	shalt  }
0x5d: {  	_ =	shalt  }
0x5e: {  	_ =	shalt  }
0x5f: {  	_ =	shalt  }
0x60: {  	_ =	shalt  }
0x61: {  	_ =	shalt  }
0x62: {  	_ =	shalt  }
0x63: {  	_ =	shalt  }
0x64: {  	_ =	shalt  }
0x65: {  	_ =	shalt  }
0x66: {  	_ =	shalt  }
0x67: {  	_ =	shalt  }
0x68: {  	_ =	shalt  }
0x69: {  	_ =	shalt  }
0x6a: {  	_ =	shalt  }
0x6b: {  	_ =	shalt  }
0x6c: {  	_ =	shalt  }
0x6d: {  	_ =	shalt  }
0x6e: {  	_ =	shalt  }
0x6f: {  	_ =	shalt  }
0x70: {  	_ =	shalt  }
0x71: {  	_ =	shalt  }
0x72: {  	_ =	shalt  }
0x73: {  	_ =	shalt  }
0x74: {  	_ =	shalt  }
0x75: {  	_ =	shalt  }
0x76: {  	_ =	shalt  }
0x77: {  	_ =	shalt  }
0x78: {  	_ =	shalt  }
0x79: {  	_ =	shalt  }
0x7a: {  	_ =	shalt  }
0x7b: {  	_ =	shalt  }
0x7c: {  	_ =	shalt  }
0x7d: {  	_ =	shalt  }
0x7e: {  	_ =	shalt  }
0x7f: {  	_ =	shalt  }
0x80: {  	_ =	shalt  }
0x81: {  	_ =	shalt  }
0x82: {  	_ =	shalt  }
0x83: {  	_ =	shalt  }
0x84: {  	_ =	shalt  }
0x85: {  	_ =	shalt  }
0x86: {  	_ =	shalt  }
0x87: {  	_ =	shalt  }
.Lfunc_end0:
.L_simem_size_0:
called_computation.2_lowered:
.L_overlay_start_0:
0x88: {  	s2 =	sld [smem:$0x3FD9]  }
0x89: {  	s3 =	sld [smem:$0x3FFE];
	_ =	sdelay $0x1  }
0x8a: {  	s1 =	srdreg.scid  }
0x8b: {  	s0 =	sand.u32 $0x1, s1  }
0x8c: {  	s17 =	sshll.u32 s0, $0xA;
	s2 =	sadd.s32 s3, s2  }
0x8d: {  	s2 =	sadd.s32 s2, s17  }
0x8e: {  	[smem:$0x3FC1] =	sst s2  }
0x8f: {  	_ = 	snop  }
0x90: {  	s2 =	sld [smem:$0x3FD0];
	(tm) =	ssettm $0x1  }
0x91: {  	s18 =	sld [smem:$0x3FFB];
	_ =	sdelay $0x3  }
0x92: {  	_ =	strace s18  }
0x93: {  	s3 =	sld [smem:$0x3FFC];
	_ =	sdelay $0x3  }
0x94: {  	_ =	strace s3  }
0x95: {  	s3 =	sld [smem:$0x3FFD];
	_ =	sdelay $0x3  }
0x96: {  	_ =	strace s3  }
0x97: {  	_ =	strace $0x8FFFFFFF  }
0x98: {  	s19 =	sld [smem:$0x3FDB];
	_ =	sdelay $0x1  }
0x99: {  	s4 =	simm.s32 $_scs_section_size  }
0x9a: {  	s5 =	simm.s32 $_size__tile_overlayer_lowered;
	s6 =	simm.s32 $_tile_overlayer_lowered  }
0x9b: {  	s22 =	simm.s32 $0x1BFF;
	s21 =	sshll.u32 s6, $0x1;
	s3 =	sadd.s32 s4, s19  }
0x9c: {  	s7 =	simm.s32 $0x0;
	s20 =	sshll.u32 s5, $0x1;
	s5 =	sadd.s32 s21, s3  }
0x9d: {  	[timem:s7], [sflag:s22] =	dma.local [hbm:s5], s20  }
0x9e: {  	_ =	swait.ge [sflag:s22], s20  }
0x9f: {  	s4 =	ssub.s32 $0x0, s20;
	[sflag:s22] =	ssyncset.done $0x0  }
0xa0: {  	[sflag:s22] =	ssyncadd.s32 s4;
	_ =	sdelay $0x1  }
0xa1: {  	s23 =	simm.s32 $0x1B8B  }
0xa2: {  	_ =	swait.ge [sflag:s23], $0x1  }
0xa3: {  	[sflag:s23] =	ssyncset.done $0x0  }
0xa4: {  	s25 =	simm.s32 $0x1B8E;
	s24 =	sld [smem:$0x3FFE];
	[sflag:s23] =	ssyncadd.s32 $0xFFFFFFFF  }
0xa5: {  	s26 =	simm.s32 $execute0_lowered;
	[smem:$0x3FD2] =	sst s25  }
0xa6: {  	s5 =	sshll.u32 s26, $0x1;
	_ =	strace $0x8000004C;
	[dreg:$0x1] =	wrdreg $0xFFFFFFFF  }
0xa7: {  	s28 =	simm.s32 $_size_execute0_lowered;
	s3 =	sadd.s32 s3, s5;
	[dreg:$0x0] =	wrdreg $0x0  }
0xa8: {  	s5 =	sshll.u32 s28, $0x1;
	[dreg:$0x2] =	wrdreg s3  }
0xa9: {  	[dreg:$0x3] =	wrdreg s5  }
0xaa: {  	[dreg:$0x4] =	wrdreg $0xC0  }
0xab: {  	_ =	task [dreg:s7], $0x5FFFF  }
0xac: {  	[dreg:$0x1] =	wrdreg $0xFFFFFFFF  }
0xad: {  	[dreg:$0x0] =	wrdreg $0x60  }
0xae: {  	[dreg:$0x2] =	wrdreg s24  }
0xaf: {  	[dreg:$0x3] =	wrdreg s2  }
0xb0: {  	[dreg:$0x4] =	wrdreg $0x9  }
0xb1: {  	_ =	task.clear_ibuf [dreg:s7], $0x5FFFF;
	_ =	strace $0x9000004C  }
0xb2: {  	s29 =	simm.s32 $0x9;
	_ =	strace $0x8000004E  }
0xb3: {  	_ =	swait.ge [sflag:s29], $0x1  }
0xb4: {  	[sflag:s29] =	ssyncadd.s32 $0xFFFFFFFF  }
0xb5: {  	_ =	strace $0x9000004E  }
0xb6: {  	_ =	sfence  }
0xb7: {  	s30 =	sld [smem:$0x0];
	_ =	sdelay $0x2  }
0xb8: {  	s31 =	sshll.u32 s1, $0xD;
	s1 =	sshrl.u32 s1, $0x2  }
0xb9: {  	s3 =	sand.u32 $0x4000, s31;
	s1 =	sadd.s32 s1, s30  }
0xba: {  	s0 =	sor.u32 s3, s0;
	s1 =	sshll.u32 s1, $0x11  }
0xbb: {  	s0 =	sor.u32 s1, s0  }
0xbc: {  	s0 =	sadd.s32 $0x8F2B, s0  }
0xbd: {  	[sflag:s0] =	ssyncadd.remote.s32 $0x1  }
0xbe: {  	_ =	sfence.sel $0xFFFF  }
0xbf: {  	[dreg:$0x0] =	wrdreg $0xFFFFFFFF;
	(pc) =	sbr.abs _section_cstart, $3  }
0xc0: {  	[dreg:$0x1] =	wrdreg $0xFFFFFFFF  }
0xc1: {  	_ =	task.clear_ibuf [dreg:s7], $0x2FFFF;
	_ =	strace $0x9FFFFFFF  }
0xc2: {  	(tm) =	ssettm $0x7FFFFFFF  }
0xc3: {  	_ =	shalt  }
tec
execute0_lowered:
.L_overlay_start_1:
0x0: {  	(tag) =	ssettag $0x1  }
0x1: {  	s1 =	srdreg.scid  }
0x2: {  	s7 =	rddreg [dreg:$0x0];
	s0 =	stileid.u32  }
0x3: {  	s3 =	rddreg [dreg:$0x1];
	s2 =	simm.s32 $0x0;
	s17 =	simm.s32 $0x880  }
0x4: {  	s18 =	simm.s32 $0x1080;
	s19 =	simm.s32 $0x1880;
	s20 =	simm.s32 $0x2080  }
0x5: {  	s21 =	simm.s32 $0x2880;
	s22 =	simm.s32 $0x3080;
	[smem:$0x7FF] =	sst s2  }
0x6: {  	s23 =	simm.s32 $0x3880;
	_ =	strace $0x8000004D;
	[dreg:$0x5] =	wrdreg s17  }
0x7: {  	s24 =	simm.s32 $0x4080;
	s8 =	simm.s32 $0x4880;
	[dreg:$0x6] =	wrdreg s18  }
0x8: {  	s25 =	simm.s32 $0x5080;
	s9 =	simm.s32 $0x5880;
	[dreg:$0x7] =	wrdreg s19  }
0x9: {  	s26 =	simm.s32 $0x6080;
	s10 =	simm.s32 $0x80;
	[dreg:$0x8] =	wrdreg s20  }
0xa: {  	s12 =	simm.s32 $0x7080;
	s13 =	simm.s32 $0x7880;
	[dreg:$0x9] =	wrdreg s21  }
0xb: {  	s14 =	simm.s32 $0x8080;
	s15 =	simm.s32 $0x8880;
	[dreg:$0xa] =	wrdreg s22  }
0xc: {  	s16 =	simm.s32 $0x9080;
	s28 =	simm.s32 $0xE880;
	[dreg:$0xb] =	wrdreg s23  }
0xd: {  	s29 =	simm.s32 $0xF080;
	s30 =	simm.s32 $0xF880;
	[dreg:$0xc] =	wrdreg s24  }
0xe: {  	s31 =	simm.s32 $0x1;
	s1 =	sand.u32 $0x1, s1;
	[dreg:$0xd] =	wrdreg s8  }
0xf: {  	s4 =	sshll.u32 s0, $0x7;
	s5 =	sshll.u32 s1, $0x6;
	[dreg:$0xe] =	wrdreg s25  }
0x10: {  	s1 =	ssub.s32 $0x2, s1;
	[dreg:$0xf] =	wrdreg s9;
	s9 =	simm.s32 $0x3  }
0x11: {  	[dreg:$0x10] =	wrdreg s26;
	s17 =	simm.s32 $0x9880;
	s18 =	simm.s32 $0xA080  }
0x12: {  	s19 =	simm.s32 $0xA880;
	s20 =	simm.s32 $0xB080;
	s21 =	simm.s32 $0xB880  }
0x13: {  	s22 =	simm.s32 $0xC080;
	s23 =	simm.s32 $0xC880;
	s24 =	simm.s32 $0xD080  }
0x14: {  	s25 =	simm.s32 $0xD880;
	s26 =	simm.s32 $0xE080;
	s4 =	sor.u32 s5, s4  }
0x15: {  	s6 =	sshrl.u32 s1, $0x1;
	s5 =	sshrl.u32 s4, $0x3;
	s4 =	sshll.u32 s4, $0x7  }
0x16: {  	s1 =	ssub.s32 s1, s6;
	s6 =	sadd.s32 $0x79A00, s7;
	s5 =	sadd.s32 s7, s5  }
0x17: {  	v2 =	vlaneseq.u32;
	s3 =	sadd.s32 s3, s4;
	s8 =	smax.u32 s1, $0x1;
	s1 =	simm.s32 $0x2  }
0x18: {  	vm0 =	vmmov $0xffff;
	v1 =	vshrl.u32 v2, $0x3;
	[dreg:$0x3] =	wrdreg s5;
	s4 =	sadd.s32 $0x1000, s3;
	s5 =	sadd.s32 $0x79900, s7  }
0x19: {  	v0 =	vand.u32 $0x7, v2;
	v2 =	vor.u32 $0x8, v2;
	v1 =	vmul.u32 $0x8, v1;
	[dreg:$0x4] =	wrdreg s4;
	s4 =	sadd.s32 $0x79800, s7;
	s7 =	sadd.s32 $0x79B00, s7  }
.LBB2_1:
0x1a: {  	s0 =	rddreg [dreg:$0x3]  }
0x1b: {  	[tilespmem:s2], [sflag:$0x3] =	stream.linear.gather [hbm4b:s0+s2], $0x40, $0x38;
	[tilespmem:$0x10080] =	vst v63  }
0x1c: {  	_ =	swait.ge [sflag:s9], $0x40  }
0x1d: {  	[sflag:s9] =	ssyncset.done $0x0  }
0x1e: {  	[sflag:s9] =	ssyncadd.s32 $0xFFFFFFC0  }
0x1f: {  	v3 =	vld [tilespmem:$0x0];
	_ =	sdelay $0x4  }
0x20: {  	v4 =	vshll.u32 v3, $0x3  }
0x21: {  	v3 =	vand.u32 $0x7, v3;
	v4 =	vand.u32 $0xFFFFFFC0, v4  }
0x22: {  	v3 =	vor.u32 v3, v4  }
0x23: {  	v4 =	vperm.xlane v3, v0;
	_ =	sdelay $0x1  }
0x24: {  	v4 =	vadd.s32 v1, v4;
	_ =	sdelay $0x4  }
0x25: {  	[tilespmem:s10], [sflag:$0x1] =	stream.indirect_vreg.gather [hbm4b:s4+s2], $0x80, v4, vm0, $0xb8;
	[tilespmem:$0x10080] =	vst v63  }
0x26: {  	s0 =	rddreg [dreg:$0x5];
	v3 =	vperm.xlane v3, v2  }
0x27: {  	[tilespmem:s0], [sflag:$0x1] =	stream.indirect_vreg.gather [hbm4b:s5+s2], $0x80, v4, vm0, $0xb8;
	[tilespmem:$0x10080] =	vst v63  }
0x28: {  	s11 =	rddreg [dreg:$0x6];
	v3 =	vadd.s32 v1, v3  }
0x29: {  	[tilespmem:s11], [sflag:$0x1] =	stream.indirect_vreg.gather [hbm4b:s6+s2], $0x80, v4, vm0, $0xb8;
	[tilespmem:$0x10080] =	vst v63  }
0x2a: {  	s0 =	rddreg [dreg:$0x7]  }
0x2b: {  	[tilespmem:s0], [sflag:$0x1] =	stream.indirect_vreg.gather [hbm4b:s7+s2], $0x80, v4, vm0, $0xb8;
	[tilespmem:$0x10080] =	vst v63  }
0x2c: {  	s11 =	rddreg [dreg:$0x8]  }
0x2d: {  	[tilespmem:s11], [sflag:$0x1] =	stream.indirect_vreg.gather [hbm4b:s4+s2], $0x80, v3, vm0, $0xb8;
	[tilespmem:$0x10080] =	vst v63  }
0x2e: {  	s0 =	rddreg [dreg:$0x9]  }
0x2f: {  	[tilespmem:s0], [sflag:$0x1] =	stream.indirect_vreg.gather [hbm4b:s5+s2], $0x80, v3, vm0, $0xb8;
	[tilespmem:$0x10080] =	vst v63  }
0x30: {  	s11 =	rddreg [dreg:$0xa]  }
0x31: {  	[tilespmem:s11], [sflag:$0x1] =	stream.indirect_vreg.gather [hbm4b:s6+s2], $0x80, v3, vm0, $0xb8;
	[tilespmem:$0x10080] =	vst v63  }
0x32: {  	s0 =	rddreg [dreg:$0xb]  }
0x33: {  	[tilespmem:s0], [sflag:$0x1] =	stream.indirect_vreg.gather [hbm4b:s7+s2], $0x80, v3, vm0, $0xb8;
	[tilespmem:$0x10080] =	vst v63  }
0x34: {  	v3 =	vld [tilespmem:$0x10];
	_ =	sdelay $0x4  }
0x35: {  	v61 =	vshll.u32 v3, $0x3  }
0x36: {  	v3 =	vand.u32 $0x7, v3;
	v4 =	vand.u32 $0xFFFFFFC0, v61  }
0x37: {  	v3 =	vor.u32 v3, v4  }
0x38: {  	v4 =	vperm.xlane v3, v0;
	_ =	sdelay $0x1  }
0x39: {  	v4 =	vadd.s32 v1, v4;
	_ =	sdelay $0x3  }
0x3a: {  	s0 =	rddreg [dreg:$0xc]  }
0x3b: {  	[tilespmem:s0], [sflag:$0x1] =	stream.indirect_vreg.gather [hbm4b:s4+s2], $0x80, v4, vm0, $0xb8;
	[tilespmem:$0x10080] =	vst v63  }
0x3c: {  	s11 =	rddreg [dreg:$0xd];
	v3 =	vperm.xlane v3, v2  }
0x3d: {  	[tilespmem:s11], [sflag:$0x1] =	stream.indirect_vreg.gather [hbm4b:s5+s2], $0x80, v4, vm0, $0xb8;
	[tilespmem:$0x10080] =	vst v63  }
0x3e: {  	v3 =	vadd.s32 v1, v3;
	s0 =	rddreg [dreg:$0xe]  }
0x3f: {  	[tilespmem:s0], [sflag:$0x1] =	stream.indirect_vreg.gather [hbm4b:s6+s2], $0x80, v4, vm0, $0xb8;
	[tilespmem:$0x10080] =	vst v63  }
0x40: {  	s11 =	rddreg [dreg:$0xf]  }
0x41: {  	[tilespmem:s11], [sflag:$0x1] =	stream.indirect_vreg.gather [hbm4b:s7+s2], $0x80, v4, vm0, $0xb8;
	[tilespmem:$0x10080] =	vst v63  }
0x42: {  	s0 =	rddreg [dreg:$0x10]  }
0x43: {  	[tilespmem:s0], [sflag:$0x1] =	stream.indirect_vreg.gather [hbm4b:s4+s2], $0x80, v3, vm0, $0xb8;
	[tilespmem:$0x10080] =	vst v63  }
0x44: {  	s11 =	simm.s32 $0x6880  }
0x45: {  	[tilespmem:s11], [sflag:$0x1] =	stream.indirect_vreg.gather [hbm4b:s5+s2], $0x80, v3, vm0, $0xb8;
	[tilespmem:$0x10080] =	vst v63  }
0x46: {  	_ = 	snop  }
0x47: {  	[tilespmem:s12], [sflag:$0x1] =	stream.indirect_vreg.gather [hbm4b:s6+s2], $0x80, v3, vm0, $0xb8;
	[tilespmem:$0x10080] =	vst v63  }
0x48: {  	_ = 	snop  }
0x49: {  	[tilespmem:s13], [sflag:$0x1] =	stream.indirect_vreg.gather [hbm4b:s7+s2], $0x80, v3, vm0, $0xb8;
	[tilespmem:$0x10080] =	vst v63  }
0x4a: {  	v3 =	vld [tilespmem:$0x20];
	_ =	sdelay $0x4  }
0x4b: {  	v62 =	vshll.u32 v3, $0x3  }
0x4c: {  	v3 =	vand.u32 $0x7, v3;
	v4 =	vand.u32 $0xFFFFFFC0, v62  }
0x4d: {  	v3 =	vor.u32 v3, v4  }
0x4e: {  	v4 =	vperm.xlane v3, v0;
	_ =	sdelay $0x1  }
0x4f: {  	v4 =	vadd.s32 v1, v4;
	_ =	sdelay $0x4  }
0x50: {  	[tilespmem:s14], [sflag:$0x2] =	stream.indirect_vreg.gather [hbm4b:s4+s2], $0x80, v4, vm0, $0xb8;
	[tilespmem:$0x10080] =	vst v63  }
0x51: {  	v3 =	vperm.xlane v3, v2  }
0x52: {  	[tilespmem:s15], [sflag:$0x2] =	stream.indirect_vreg.gather [hbm4b:s5+s2], $0x80, v4, vm0, $0xb8;
	[tilespmem:$0x10080] =	vst v63  }
0x53: {  	v3 =	vadd.s32 v1, v3  }
0x54: {  	[tilespmem:s16], [sflag:$0x2] =	stream.indirect_vreg.gather [hbm4b:s6+s2], $0x80, v4, vm0, $0xb8;
	[tilespmem:$0x10080] =	vst v63  }
0x55: {  	_ = 	snop  }
0x56: {  	[tilespmem:s17], [sflag:$0x2] =	stream.indirect_vreg.gather [hbm4b:s7+s2], $0x80, v4, vm0, $0xb8;
	[tilespmem:$0x10080] =	vst v63  }
0x57: {  	_ = 	snop  }
0x58: {  	[tilespmem:s18], [sflag:$0x2] =	stream.indirect_vreg.gather [hbm4b:s4+s2], $0x80, v3, vm0, $0xb8;
	[tilespmem:$0x10080] =	vst v63  }
0x59: {  	_ = 	snop  }
0x5a: {  	[tilespmem:s19], [sflag:$0x2] =	stream.indirect_vreg.gather [hbm4b:s5+s2], $0x80, v3, vm0, $0xb8;
	[tilespmem:$0x10080] =	vst v63  }
0x5b: {  	_ = 	snop  }
0x5c: {  	[tilespmem:s20], [sflag:$0x2] =	stream.indirect_vreg.gather [hbm4b:s6+s2], $0x80, v3, vm0, $0xb8;
	[tilespmem:$0x10080] =	vst v63  }
0x5d: {  	_ = 	snop  }
0x5e: {  	[tilespmem:s21], [sflag:$0x2] =	stream.indirect_vreg.gather [hbm4b:s7+s2], $0x80, v3, vm0, $0xb8;
	[tilespmem:$0x10080] =	vst v63  }
0x5f: {  	v3 =	vld [tilespmem:$0x30];
	_ =	sdelay $0x4  }
0x60: {  	v63 =	vshll.u32 v3, $0x3  }
0x61: {  	v3 =	vand.u32 $0x7, v3;
	v4 =	vand.u32 $0xFFFFFFC0, v63  }
0x62: {  	v3 =	vor.u32 v3, v4  }
0x63: {  	v4 =	vperm.xlane v3, v0;
	_ =	sdelay $0x1  }
0x64: {  	v4 =	vadd.s32 v1, v4;
	_ =	sdelay $0x4  }
0x65: {  	[tilespmem:s22], [sflag:$0x2] =	stream.indirect_vreg.gather [hbm4b:s4+s2], $0x80, v4, vm0, $0xb8;
	[tilespmem:$0x10080] =	vst v63  }
0x66: {  	v3 =	vperm.xlane v3, v2  }
0x67: {  	[tilespmem:s23], [sflag:$0x2] =	stream.indirect_vreg.gather [hbm4b:s5+s2], $0x80, v4, vm0, $0xb8;
	[tilespmem:$0x10080] =	vst v63  }
0x68: {  	v3 =	vadd.s32 v1, v3  }
0x69: {  	[tilespmem:s24], [sflag:$0x2] =	stream.indirect_vreg.gather [hbm4b:s6+s2], $0x80, v4, vm0, $0xb8;
	[tilespmem:$0x10080] =	vst v63  }
0x6a: {  	_ = 	snop  }
0x6b: {  	[tilespmem:s25], [sflag:$0x2] =	stream.indirect_vreg.gather [hbm4b:s7+s2], $0x80, v4, vm0, $0xb8;
	[tilespmem:$0x10080] =	vst v63  }
0x6c: {  	_ = 	snop  }
0x6d: {  	[tilespmem:s26], [sflag:$0x2] =	stream.indirect_vreg.gather [hbm4b:s4+s2], $0x80, v3, vm0, $0xb8;
	[tilespmem:$0x10080] =	vst v63  }
0x6e: {  	_ = 	snop  }
0x6f: {  	[tilespmem:s28], [sflag:$0x2] =	stream.indirect_vreg.gather [hbm4b:s5+s2], $0x80, v3, vm0, $0xb8;
	[tilespmem:$0x10080] =	vst v63  }
0x70: {  	_ = 	snop  }
0x71: {  	[tilespmem:s29], [sflag:$0x2] =	stream.indirect_vreg.gather [hbm4b:s6+s2], $0x80, v3, vm0, $0xb8;
	[tilespmem:$0x10080] =	vst v63  }
0x72: {  	_ = 	snop  }
0x73: {  	[tilespmem:s30], [sflag:$0x2] =	stream.indirect_vreg.gather [hbm4b:s7+s2], $0x80, v3, vm0, $0xb8;
	[tilespmem:$0x10080] =	vst v63  }
0x74: {  	_ =	swait.ge [sflag:s31], $0x8000  }
0x75: {  	[sflag:s31] =	ssyncset.done $0x0  }
0x76: {  	[sflag:s31] =	ssyncadd.s32 $0xFFFF8000  }
0x77: {  	[hbm4b:s3+s2] =	stream.linear.scatter [tilespmem:s10], [sflag:$0x3], $0x8000, $0x38;
	[tilespmem:$0x10080] =	vst v63  }
0x78: {  	_ =	swait.ge [sflag:s9], $0x8000  }
0x79: {  	[sflag:s9] =	ssyncset.done $0x0  }
0x7a: {  	[sflag:s9] =	ssyncadd.s32 $0xFFFF8000  }
0x7b: {  	_ =	swait.ge [sflag:s1], $0x8000  }
0x7c: {  	p0 =	sne.s32 s8, $0x1;
	[sflag:s1] =	ssyncset.done $0x0  }
.Ltmp0:
0x7d: {  	s11 =	rddreg [dreg:$0x4];
	[sflag:s1] =	ssyncadd.s32 $0xFFFF8000;
	(pc) =	sbr.rel @p0 .LBB2_1-.Ltmp0, $4  }
0x7e: {  	[hbm4b:s11+s2] =	stream.linear.scatter [tilespmem:s14], [sflag:$0x3], $0x8000, $0x38;
	[tilespmem:$0x10080] =	vst v63  }
0x7f: {  	_ =	swait.ge [sflag:s9], $0x8000  }
0x80: {  	[sflag:s9] =	ssyncset.done $0x0  }
0x81: {  	s8 =	sadd.s32 $0xFFFFFFFF, s8;
	[sflag:s9] =	ssyncadd.s32 $0xFFFF8000  }
0x82: {  	_ =	sfence.sel $0x180000  }
0x83: {  	[bflag:$0x0] =	sbarrier.arrive $0xFFFF  }
0x84: {  	_ =	strace $0x9000004D  }
0x85: {  	s0 =	stileid.u32;
	[bflag:$0x2] =	sbarrier.arrive $0xFFFF  }
0x86: {  	p0 =	sne.s32 s0, $0x0;
	s0 =	rddreg [dreg:$0x2]  }
0x87: {  	s0 =	sadd.s32 @!p0 $0x100000, s0  }
0x88: {  	[sflag:s0] =	ssyncadd.tile.s32 @!p0 $0x1;
	_ =	shalt  }
.Lfunc_end2:
_tile_overlayer_lowered:
.L_overlay_start_2:
0x89: {  	(tag) =	ssettag $0x2  }
0x8a: {  	s0 =	rddreg [dreg:$0x0];
	s2 =	stileid.u32  }
0x8b: {  	s1 =	rddreg [dreg:$0x1];
	p0 =	sne.s32 s2, $0x0  }
0x8c: {  	s3 =	rddreg [dreg:$0x2];
	[bflag:$0x3] =	sbarrier.arrive $0xFFFF;
	s2 =	simm.s32 @!p0 $0x1C03  }
0x8d: {  	[timem:s3], [sflag:s2] =	dma.local @!p0 [hbm:s0], s1  }
0x8e: {  	s0 =	simm.s32 @!p0 $0x3  }
0x8f: {  	_ =	swait.ge @!p0 [sflag:s0], s1  }
0x90: {  	s1 =	ssub.s32 @!p0 $0x0, s1;
	[sflag:s0] =	ssyncset.done @!p0 $0x0  }
0x91: {  	[sflag:s0] =	ssyncadd.s32 @!p0 s1  }
0x92: {  	[bflag:$0x3] =	sbarrier.arrive $0xFFFF  }
0x93: {  	_ =	shalt  }

</sc_bundles>
